<compile_context>
chip_gen: v7x
topology: tpu7x:2x2x1
jax: 0.10.2.dev20260603
libtpu: 0.0.44.dev20260713+nightly
codegen_flags: <defaults>
</compile_context>

<pallas_src>
import functools

import jax
import jax.numpy as jnp
from jax import lax
from jax.experimental import pallas as pl
from jax.experimental.pallas import tpu as pltpu
from jax.experimental.pallas import tpu_sc as plsc

N_TABLE = 10000
D = 128
N_ELEMS = 320000
N_SEG = 10000

NC = 2
NS = 16
CHUNK = 80
ELEMS_PER_TILE = N_ELEMS // (NC * NS)
N_CHUNKS = ELEMS_PER_TILE // CHUNK
N_PAIRS = (N_CHUNKS - 1) // 2
SEG_PER_TILE = N_SEG // NS
ZROWS = 25
NZERO = SEG_PER_TILE // ZROWS


def _sc_partials(table, idx_flat, seg_flat):
    mesh = plsc.VectorSubcoreMesh(core_axis_name="c", subcore_axis_name="s")

    @functools.partial(
        pl.kernel,
        mesh=mesh,
        out_type=[
            jax.ShapeDtypeStruct((NC, NS, SEG_PER_TILE, D), jnp.float32),
            jax.ShapeDtypeStruct((NC, NS, SEG_PER_TILE, D), jnp.float32),
        ],
        scratch_types=[
            pltpu.VMEM_SHARED((N_SEG, D), jnp.float32),
            pltpu.VMEM((ELEMS_PER_TILE,), jnp.int32),
            pltpu.VMEM((ELEMS_PER_TILE,), jnp.int32),
            pltpu.VMEM((CHUNK, D), jnp.float32),
            pltpu.VMEM((CHUNK, D), jnp.float32),
            pltpu.VMEM((ZROWS, D), jnp.float32),
            pltpu.SemaphoreType.DMA,
            pltpu.SemaphoreType.DMA,
            pltpu.SemaphoreType.DMA,
            pltpu.SemaphoreType.DMA,
            pltpu.SemaphoreType.DMA,
        ],
    )
    def k(table_hbm, idx_hbm, seg_hbm, psum_hbm, pboth_hbm,
          acc_sh, idx_st, seg_st, rows_a, rows_b, zrow_v,
          gsem_a, gsem_b, ssem_a, ssem_b, zsem):
        cid = lax.axis_index("c")
        sid = lax.axis_index("s")
        wid = cid * NS + sid
        seg_base = sid * SEG_PER_TILE

        z16 = jnp.zeros((16,), jnp.float32)
        one16 = jnp.ones((16,), jnp.float32)

        def fill(ref, nrows, val):
            def body(r, carry):
                for cb in range(D // 16):
                    ref[r, pl.ds(cb * 16, 16)] = val
                return carry
            lax.fori_loop(0, nrows, body, 0)

        ebase = wid * ELEMS_PER_TILE
        pltpu.sync_copy(idx_hbm.at[pl.ds(ebase, ELEMS_PER_TILE)], idx_st)
        pltpu.sync_copy(seg_hbm.at[pl.ds(ebase, ELEMS_PER_TILE)], seg_st)

        fill(zrow_v, ZROWS, z16)
        for j in range(NZERO):
            pltpu.async_copy(
                zrow_v, acc_sh.at[pl.ds(seg_base + j * ZROWS, ZROWS)], zsem)
        for j in range(NZERO):
            pltpu.make_async_copy(
                zrow_v, acc_sh.at[pl.ds(seg_base + j * ZROWS, ZROWS)],
                zsem).wait()
        plsc.subcore_barrier()

        def gather(c, rows_v, sem):
            idx = idx_st.at[pl.ds(c * CHUNK, CHUNK)]
            return pltpu.async_copy(table_hbm.at[idx], rows_v, sem)

        def gather_wait(c, rows_v, sem):
            idx = idx_st.at[pl.ds(c * CHUNK, CHUNK)]
            pltpu.make_async_copy(table_hbm.at[idx], rows_v, sem).wait()

        def scat(c, rows_v):
            seg = seg_st.at[pl.ds(c * CHUNK, CHUNK)]
            pltpu.sync_copy(rows_v, acc_sh.at[seg], add=True)

        gather(0, rows_a, gsem_a)

        def sum_pair(p, carry):
            gather(2 * p + 1, rows_b, gsem_b)
            gather_wait(2 * p, rows_a, gsem_a)
            scat(2 * p, rows_a)
            gather(2 * p + 2, rows_a, gsem_a)
            gather_wait(2 * p + 1, rows_b, gsem_b)
            scat(2 * p + 1, rows_b)
            return carry

        lax.fori_loop(0, N_PAIRS, sum_pair, 0)
        gather_wait(N_CHUNKS - 1, rows_a, gsem_a)
        scat(N_CHUNKS - 1, rows_a)

        plsc.subcore_barrier()
        pltpu.sync_copy(acc_sh.at[pl.ds(seg_base, SEG_PER_TILE)],
                        psum_hbm.at[cid, sid])
        plsc.subcore_barrier()

        fill(rows_a, CHUNK, one16)

        def ones_scat(c, sem):
            seg = seg_st.at[pl.ds(c * CHUNK, CHUNK)]
            pltpu.async_copy(rows_a, acc_sh.at[seg], sem, add=True)

        def ones_wait(c, sem):
            seg = seg_st.at[pl.ds(c * CHUNK, CHUNK)]
            pltpu.make_async_copy(rows_a, acc_sh.at[seg], sem).wait()

        ones_scat(0, ssem_a)

        def cnt_pair(p, carry):
            ones_scat(2 * p + 1, ssem_b)
            ones_wait(2 * p, ssem_a)
            ones_scat(2 * p + 2, ssem_a)
            ones_wait(2 * p + 1, ssem_b)
            return carry

        lax.fori_loop(0, N_PAIRS, cnt_pair, 0)
        ones_wait(N_CHUNKS - 1, ssem_a)

        plsc.subcore_barrier()
        pltpu.sync_copy(acc_sh.at[pl.ds(seg_base, SEG_PER_TILE)],
                        pboth_hbm.at[cid, sid])

    return k(table, idx_flat, seg_flat)


def _combine(psum, pboth):
    BLK = 2000

    def body(s_ref, b_ref, o_ref):
        s = s_ref[0] + s_ref[1]
        cnt = (b_ref[0] - s_ref[0]) + (b_ref[1] - s_ref[1])
        o_ref[...] = s / jnp.maximum(cnt, 1.0)

    return pl.pallas_call(
        body,
        grid=(N_SEG // BLK,),
        in_specs=[
            pl.BlockSpec((NC, BLK, D), lambda i: (0, i, 0)),
            pl.BlockSpec((NC, BLK, D), lambda i: (0, i, 0)),
        ],
        out_specs=pl.BlockSpec((BLK, D), lambda i: (i, 0)),
        out_shape=jax.ShapeDtypeStruct((N_SEG, D), jnp.float32),
    )(psum, pboth)


def kernel(chunk_features, flat_indices, segment_ids):
    psum, pboth = _sc_partials(chunk_features, flat_indices, segment_ids)
    return _combine(psum.reshape(NC, N_SEG, D), pboth.reshape(NC, N_SEG, D))

# --- scband reference (transcript-rebuilt; emitter-appended) ---
"""Pipeline reference for scband-cell-encoder-9466107920686 (READ-ONLY COPY).

The authoritative reference and input builder live on the scoring server;
editing this copy changes nothing except your own understanding.
"""

import jax, jax.numpy as jnp
import numpy as np

NUM_CHUNKS = 10000
D_FEAT = 128
NUM_ELEMS = 320000
NUM_SEGMENTS = 10000


def setup_inputs(seed: int = 0) -> dict:
    key = jax.random.key(seed)
    k1, k2, k3 = jax.random.split(key, 3)
    chunk_features = jax.random.normal(k1, (NUM_CHUNKS, D_FEAT), dtype=jnp.float32)
    flat_indices = jax.random.randint(k2, (NUM_ELEMS,), 0, NUM_CHUNKS, dtype=jnp.int32)
    segment_ids = jnp.sort(jax.random.randint(k3, (NUM_ELEMS,), 0, NUM_SEGMENTS, dtype=jnp.int32))
    return {
        "chunk_features": chunk_features,
        "flat_indices": flat_indices,
        "segment_ids": segment_ids,
    }


def reference(chunk_features, flat_indices, segment_ids):
    # CellEncoder.forward: for each cell, gather chunk embeddings by its
    # chunk_indices and take the mean; projection is Identity since
    # input_dim == output_dim.
    gathered = jnp.take(chunk_features, flat_indices, axis=0)
    sums = jax.ops.segment_sum(gathered, segment_ids, num_segments=NUM_SEGMENTS)
    counts = jax.ops.segment_sum(
        jnp.ones((NUM_ELEMS,), dtype=chunk_features.dtype),
        segment_ids,
        num_segments=NUM_SEGMENTS,
    )
    means = sums / jnp.maximum(counts, 1.0)[:, None]
    return means

if __name__ == "__main__":
    import jax
    _d = setup_inputs()
    print(jax.jit(kernel)(*tuple(_d.values())))

</pallas_src>

<mosaic_0001>
#map = affine_map<(d0, d1) -> (0, 0)>
#map1 = affine_map<(d0, d1) -> (0)>
#map2 = affine_map<(d0, d1) -> (0, 0, 0, 0)>
module attributes {stable_mosaic.version = 14 : i64} {
  func.func @k(%arg0: i32, %arg1: i32, %arg2: memref<10000x128xf32, #tpu.memory_space<hbm>>, %arg3: memref<320000xi32, #tpu.memory_space<hbm>>, %arg4: memref<320000xi32, #tpu.memory_space<hbm>>, %arg5: memref<2x16x625x128xf32, #tpu.memory_space<hbm>>, %arg6: memref<2x16x625x128xf32, #tpu.memory_space<hbm>>, %arg7: memref<10000x128xf32, #tpu.memory_space<vmem_shared>>, %arg8: memref<10000xi32, #tpu.memory_space<vmem>>, %arg9: memref<10000xi32, #tpu.memory_space<vmem>>, %arg10: memref<80x128xf32, #tpu.memory_space<vmem>>, %arg11: memref<80x128xf32, #tpu.memory_space<vmem>>, %arg12: memref<25x128xf32, #tpu.memory_space<vmem>>, %arg13: memref<!tpu.dma_semaphore, #tpu.memory_space<semaphore_mem>>, %arg14: memref<!tpu.dma_semaphore, #tpu.memory_space<semaphore_mem>>, %arg15: memref<!tpu.dma_semaphore, #tpu.memory_space<semaphore_mem>>, %arg16: memref<!tpu.dma_semaphore, #tpu.memory_space<semaphore_mem>>, %arg17: memref<!tpu.dma_semaphore, #tpu.memory_space<semaphore_mem>>) attributes {dimension_semantics = [#tpu.dimension_semantics<core_parallel>, #tpu.dimension_semantics<subcore_parallel>], iteration_bounds = array<i64: 2, 16>, scalar_prefetch = 0 : i64, scratch_operands = 11 : i64, tpu.core_type = #tpu.core_type<sc_vector_subcore>, window_params = [{transform_indices = #map}, {transform_indices = #map1}, {transform_indices = #map1}, {transform_indices = #map2}, {transform_indices = #map2}]} {
    %mul3A = arith.constant 16 : i32
    %mul3A_0 = arith.muli %arg0, %mul3A : i32
    %add3A = arith.addi %mul3A_0, %arg1 : i32
    %mul3A_1 = arith.constant 625 : i32
    %mul3A_2 = arith.muli %arg1, %mul3A_1 : i32
    %broadcast_in_dim3A = arith.constant 0.000000e+00 : f32
    %broadcast_in_dim3A_3 = vector.broadcast %broadcast_in_dim3A : f32 to vector<16xf32>
    %broadcast_in_dim3A_4 = arith.constant 1.000000e+00 : f32
    %broadcast_in_dim3A_5 = vector.broadcast %broadcast_in_dim3A_4 : f32 to vector<16xf32>
    %mul3A_6 = arith.constant 10000 : i32
    %mul3A_7 = arith.muli %add3A, %mul3A_6 : i32
    "tpu.region"() ({
      %run_scoped3A = tpu.sem_alloc : memref<!tpu.dma_semaphore, #tpu.memory_space<semaphore_mem>>
      %dma_start3A_352 = tpu.memref_slice %arg3[%mul3A_7] : memref<320000xi32, #tpu.memory_space<hbm>> -> memref<10000xi32, #tpu.memory_space<hbm>>
      %dma_start3A_353 = tpu.memref_slice %arg3[%mul3A_7] : memref<320000xi32, #tpu.memory_space<hbm>> -> memref<10000xi32, #tpu.memory_space<hbm>>
      tpu.enqueue_dma source(%dma_start3A_353 : memref<10000xi32, #tpu.memory_space<hbm>>) target(%arg8 : memref<10000xi32, #tpu.memory_space<vmem>>) target_semaphore(%run_scoped3A : memref<!tpu.dma_semaphore, #tpu.memory_space<semaphore_mem>>)
      %dma_wait3A_354 = tpu.memref_slice %arg3[%mul3A_7] : memref<320000xi32, #tpu.memory_space<hbm>> -> memref<10000xi32, #tpu.memory_space<hbm>>
      %dma_wait3A_355 = tpu.memref_slice %arg3[%mul3A_7] : memref<320000xi32, #tpu.memory_space<hbm>> -> memref<10000xi32, #tpu.memory_space<hbm>>
      tpu.wait_dma2 semaphore(%run_scoped3A : memref<!tpu.dma_semaphore, #tpu.memory_space<semaphore_mem>>) src(%dma_wait3A_355 : memref<10000xi32, #tpu.memory_space<hbm>>) dst(%arg8 : memref<10000xi32, #tpu.memory_space<vmem>>)
      tpu.yield
    }) : () -> ()
    "tpu.region"() ({
      %run_scoped3A = tpu.sem_alloc : memref<!tpu.dma_semaphore, #tpu.memory_space<semaphore_mem>>
      %dma_start3A_352 = tpu.memref_slice %arg4[%mul3A_7] : memref<320000xi32, #tpu.memory_space<hbm>> -> memref<10000xi32, #tpu.memory_space<hbm>>
      %dma_start3A_353 = tpu.memref_slice %arg4[%mul3A_7] : memref<320000xi32, #tpu.memory_space<hbm>> -> memref<10000xi32, #tpu.memory_space<hbm>>
      tpu.enqueue_dma source(%dma_start3A_353 : memref<10000xi32, #tpu.memory_space<hbm>>) target(%arg9 : memref<10000xi32, #tpu.memory_space<vmem>>) target_semaphore(%run_scoped3A : memref<!tpu.dma_semaphore, #tpu.memory_space<semaphore_mem>>)
      %dma_wait3A_354 = tpu.memref_slice %arg4[%mul3A_7] : memref<320000xi32, #tpu.memory_space<hbm>> -> memref<10000xi32, #tpu.memory_space<hbm>>
      %dma_wait3A_355 = tpu.memref_slice %arg4[%mul3A_7] : memref<320000xi32, #tpu.memory_space<hbm>> -> memref<10000xi32, #tpu.memory_space<hbm>>
      tpu.wait_dma2 semaphore(%run_scoped3A : memref<!tpu.dma_semaphore, #tpu.memory_space<semaphore_mem>>) src(%dma_wait3A_355 : memref<10000xi32, #tpu.memory_space<hbm>>) dst(%arg9 : memref<10000xi32, #tpu.memory_space<vmem>>)
      tpu.yield
    }) : () -> ()
    %scan3A = arith.constant 0 : i32
    %scan3A_8 = arith.constant 0 : i32
    %scan3A_9 = arith.constant 25 : i32
    %scan3A_10 = arith.addi %scan3A_8, %scan3A_9 : i32
    %scan3A_11 = arith.constant 1 : i32
    scf.for %scan3A_352 = %scan3A_8 to %scan3A_10 step %scan3A_11  : i32 {
      %swap3A = arith.index_cast %scan3A_352 : i32 to index
      %swap3A_353 = arith.constant 0 : index
      %swap3A_354 = tpu.vector_load %arg12[%swap3A, %swap3A_353] {strides = array<i32>} : memref<25x128xf32, #tpu.memory_space<vmem>>, vector<1x16xf32>,
      %swap3A_355 = vector.shape_cast %swap3A_354 : vector<1x16xf32> to vector<16xf32>
      %swap3A_356 = vector.shape_cast %broadcast_in_dim3A_3 : vector<16xf32> to vector<1x16xf32>
      tpu.vector_store %arg12[%swap3A, %swap3A_353], %swap3A_356 {strides = array<i32>} : memref<25x128xf32, #tpu.memory_space<vmem>>, vector<1x16xf32>,
      %swap3A_357 = arith.index_cast %scan3A_352 : i32 to index
      %swap3A_358 = arith.constant 16 : index
      %swap3A_359 = tpu.vector_load %arg12[%swap3A_357, %swap3A_358] {strides = array<i32>} : memref<25x128xf32, #tpu.memory_space<vmem>>, vector<1x16xf32>,
      %swap3A_360 = vector.shape_cast %swap3A_359 : vector<1x16xf32> to vector<16xf32>
      %swap3A_361 = vector.shape_cast %broadcast_in_dim3A_3 : vector<16xf32> to vector<1x16xf32>
      tpu.vector_store %arg12[%swap3A_357, %swap3A_358], %swap3A_361 {strides = array<i32>} : memref<25x128xf32, #tpu.memory_space<vmem>>, vector<1x16xf32>,
      %swap3A_362 = arith.index_cast %scan3A_352 : i32 to index
      %swap3A_363 = arith.constant 32 : index
      %swap3A_364 = tpu.vector_load %arg12[%swap3A_362, %swap3A_363] {strides = array<i32>} : memref<25x128xf32, #tpu.memory_space<vmem>>, vector<1x16xf32>,
      %swap3A_365 = vector.shape_cast %swap3A_364 : vector<1x16xf32> to vector<16xf32>
      %swap3A_366 = vector.shape_cast %broadcast_in_dim3A_3 : vector<16xf32> to vector<1x16xf32>
      tpu.vector_store %arg12[%swap3A_362, %swap3A_363], %swap3A_366 {strides = array<i32>} : memref<25x128xf32, #tpu.memory_space<vmem>>, vector<1x16xf32>,
      %swap3A_367 = arith.index_cast %scan3A_352 : i32 to index
      %swap3A_368 = arith.constant 48 : index
      %swap3A_369 = tpu.vector_load %arg12[%swap3A_367, %swap3A_368] {strides = array<i32>} : memref<25x128xf32, #tpu.memory_space<vmem>>, vector<1x16xf32>,
      %swap3A_370 = vector.shape_cast %swap3A_369 : vector<1x16xf32> to vector<16xf32>
      %swap3A_371 = vector.shape_cast %broadcast_in_dim3A_3 : vector<16xf32> to vector<1x16xf32>
      tpu.vector_store %arg12[%swap3A_367, %swap3A_368], %swap3A_371 {strides = array<i32>} : memref<25x128xf32, #tpu.memory_space<vmem>>, vector<1x16xf32>,
      %swap3A_372 = arith.index_cast %scan3A_352 : i32 to index
      %swap3A_373 = arith.constant 64 : index
      %swap3A_374 = tpu.vector_load %arg12[%swap3A_372, %swap3A_373] {strides = array<i32>} : memref<25x128xf32, #tpu.memory_space<vmem>>, vector<1x16xf32>,
      %swap3A_375 = vector.shape_cast %swap3A_374 : vector<1x16xf32> to vector<16xf32>
      %swap3A_376 = vector.shape_cast %broadcast_in_dim3A_3 : vector<16xf32> to vector<1x16xf32>
      tpu.vector_store %arg12[%swap3A_372, %swap3A_373], %swap3A_376 {strides = array<i32>} : memref<25x128xf32, #tpu.memory_space<vmem>>, vector<1x16xf32>,
      %swap3A_377 = arith.index_cast %scan3A_352 : i32 to index
      %swap3A_378 = arith.constant 80 : index
      %swap3A_379 = tpu.vector_load %arg12[%swap3A_377, %swap3A_378] {strides = array<i32>} : memref<25x128xf32, #tpu.memory_space<vmem>>, vector<1x16xf32>,
      %swap3A_380 = vector.shape_cast %swap3A_379 : vector<1x16xf32> to vector<16xf32>
      %swap3A_381 = vector.shape_cast %broadcast_in_dim3A_3 : vector<16xf32> to vector<1x16xf32>
      tpu.vector_store %arg12[%swap3A_377, %swap3A_378], %swap3A_381 {strides = array<i32>} : memref<25x128xf32, #tpu.memory_space<vmem>>, vector<1x16xf32>,
      %swap3A_382 = arith.index_cast %scan3A_352 : i32 to index
      %swap3A_383 = arith.constant 96 : index
      %swap3A_384 = tpu.vector_load %arg12[%swap3A_382, %swap3A_383] {strides = array<i32>} : memref<25x128xf32, #tpu.memory_space<vmem>>, vector<1x16xf32>,
      %swap3A_385 = vector.shape_cast %swap3A_384 : vector<1x16xf32> to vector<16xf32>
      %swap3A_386 = vector.shape_cast %broadcast_in_dim3A_3 : vector<16xf32> to vector<1x16xf32>
      tpu.vector_store %arg12[%swap3A_382, %swap3A_383], %swap3A_386 {strides = array<i32>} : memref<25x128xf32, #tpu.memory_space<vmem>>, vector<1x16xf32>,
      %swap3A_387 = arith.index_cast %scan3A_352 : i32 to index
      %swap3A_388 = arith.constant 112 : index
      %swap3A_389 = tpu.vector_load %arg12[%swap3A_387, %swap3A_388] {strides = array<i32>} : memref<25x128xf32, #tpu.memory_space<vmem>>, vector<1x16xf32>,
      %swap3A_390 = vector.shape_cast %swap3A_389 : vector<1x16xf32> to vector<16xf32>
      %swap3A_391 = vector.shape_cast %broadcast_in_dim3A_3 : vector<16xf32> to vector<1x16xf32>
      tpu.vector_store %arg12[%swap3A_387, %swap3A_388], %swap3A_391 {strides = array<i32>} : memref<25x128xf32, #tpu.memory_space<vmem>>, vector<1x16xf32>,
    }
    %scan3A_12 = arith.constant 25 : i32
    %add3A_13 = arith.constant 0 : i32
    %add3A_14 = arith.addi %mul3A_2, %add3A_13 : i32
    %dma_start3A = arith.constant 0 : i32
    %dma_start3A_15 = tpu.memref_slice %arg7[%add3A_14, %dma_start3A] : memref<10000x128xf32, #tpu.memory_space<vmem_shared>> -> memref<25x128xf32, #tpu.memory_space<vmem_shared>>
    %dma_start3A_16 = arith.constant 0 : i32
    %dma_start3A_17 = tpu.memref_slice %arg7[%add3A_14, %dma_start3A_16] : memref<10000x128xf32, #tpu.memory_space<vmem_shared>> -> memref<25x128xf32, #tpu.memory_space<vmem_shared>>
    tpu.enqueue_dma source(%arg12 : memref<25x128xf32, #tpu.memory_space<vmem>>) target(%dma_start3A_17 : memref<25x128xf32, #tpu.memory_space<vmem_shared>>) target_semaphore(%arg17 : memref<!tpu.dma_semaphore, #tpu.memory_space<semaphore_mem>>)
    %add3A_18 = arith.constant 25 : i32
    %add3A_19 = arith.addi %mul3A_2, %add3A_18 : i32
    %dma_start3A_20 = arith.constant 0 : i32
    %dma_start3A_21 = tpu.memref_slice %arg7[%add3A_19, %dma_start3A_20] : memref<10000x128xf32, #tpu.memory_space<vmem_shared>> -> memref<25x128xf32, #tpu.memory_space<vmem_shared>>
    %dma_start3A_22 = arith.constant 0 : i32
    %dma_start3A_23 = tpu.memref_slice %arg7[%add3A_19, %dma_start3A_22] : memref<10000x128xf32, #tpu.memory_space<vmem_shared>> -> memref<25x128xf32, #tpu.memory_space<vmem_shared>>
    tpu.enqueue_dma source(%arg12 : memref<25x128xf32, #tpu.memory_space<vmem>>) target(%dma_start3A_23 : memref<25x128xf32, #tpu.memory_space<vmem_shared>>) target_semaphore(%arg17 : memref<!tpu.dma_semaphore, #tpu.memory_space<semaphore_mem>>)
    %add3A_24 = arith.constant 50 : i32
    %add3A_25 = arith.addi %mul3A_2, %add3A_24 : i32
    %dma_start3A_26 = arith.constant 0 : i32
    %dma_start3A_27 = tpu.memref_slice %arg7[%add3A_25, %dma_start3A_26] : memref<10000x128xf32, #tpu.memory_space<vmem_shared>> -> memref<25x128xf32, #tpu.memory_space<vmem_shared>>
    %dma_start3A_28 = arith.constant 0 : i32
    %dma_start3A_29 = tpu.memref_slice %arg7[%add3A_25, %dma_start3A_28] : memref<10000x128xf32, #tpu.memory_space<vmem_shared>> -> memref<25x128xf32, #tpu.memory_space<vmem_shared>>
    tpu.enqueue_dma source(%arg12 : memref<25x128xf32, #tpu.memory_space<vmem>>) target(%dma_start3A_29 : memref<25x128xf32, #tpu.memory_space<vmem_shared>>) target_semaphore(%arg17 : memref<!tpu.dma_semaphore, #tpu.memory_space<semaphore_mem>>)
    %add3A_30 = arith.constant 75 : i32
    %add3A_31 = arith.addi %mul3A_2, %add3A_30 : i32
    %dma_start3A_32 = arith.constant 0 : i32
    %dma_start3A_33 = tpu.memref_slice %arg7[%add3A_31, %dma_start3A_32] : memref<10000x128xf32, #tpu.memory_space<vmem_shared>> -> memref<25x128xf32, #tpu.memory_space<vmem_shared>>
    %dma_start3A_34 = arith.constant 0 : i32
    %dma_start3A_35 = tpu.memref_slice %arg7[%add3A_31, %dma_start3A_34] : memref<10000x128xf32, #tpu.memory_space<vmem_shared>> -> memref<25x128xf32, #tpu.memory_space<vmem_shared>>
    tpu.enqueue_dma source(%arg12 : memref<25x128xf32, #tpu.memory_space<vmem>>) target(%dma_start3A_35 : memref<25x128xf32, #tpu.memory_space<vmem_shared>>) target_semaphore(%arg17 : memref<!tpu.dma_semaphore, #tpu.memory_space<semaphore_mem>>)
    %add3A_36 = arith.constant 100 : i32
    %add3A_37 = arith.addi %mul3A_2, %add3A_36 : i32
    %dma_start3A_38 = arith.constant 0 : i32
    %dma_start3A_39 = tpu.memref_slice %arg7[%add3A_37, %dma_start3A_38] : memref<10000x128xf32, #tpu.memory_space<vmem_shared>> -> memref<25x128xf32, #tpu.memory_space<vmem_shared>>
    %dma_start3A_40 = arith.constant 0 : i32
    %dma_start3A_41 = tpu.memref_slice %arg7[%add3A_37, %dma_start3A_40] : memref<10000x128xf32, #tpu.memory_space<vmem_shared>> -> memref<25x128xf32, #tpu.memory_space<vmem_shared>>
    tpu.enqueue_dma source(%arg12 : memref<25x128xf32, #tpu.memory_space<vmem>>) target(%dma_start3A_41 : memref<25x128xf32, #tpu.memory_space<vmem_shared>>) target_semaphore(%arg17 : memref<!tpu.dma_semaphore, #tpu.memory_space<semaphore_mem>>)
    %add3A_42 = arith.constant 125 : i32
    %add3A_43 = arith.addi %mul3A_2, %add3A_42 : i32
    %dma_start3A_44 = arith.constant 0 : i32
    %dma_start3A_45 = tpu.memref_slice %arg7[%add3A_43, %dma_start3A_44] : memref<10000x128xf32, #tpu.memory_space<vmem_shared>> -> memref<25x128xf32, #tpu.memory_space<vmem_shared>>
    %dma_start3A_46 = arith.constant 0 : i32
    %dma_start3A_47 = tpu.memref_slice %arg7[%add3A_43, %dma_start3A_46] : memref<10000x128xf32, #tpu.memory_space<vmem_shared>> -> memref<25x128xf32, #tpu.memory_space<vmem_shared>>
    tpu.enqueue_dma source(%arg12 : memref<25x128xf32, #tpu.memory_space<vmem>>) target(%dma_start3A_47 : memref<25x128xf32, #tpu.memory_space<vmem_shared>>) target_semaphore(%arg17 : memref<!tpu.dma_semaphore, #tpu.memory_space<semaphore_mem>>)
    %add3A_48 = arith.constant 150 : i32
    %add3A_49 = arith.addi %mul3A_2, %add3A_48 : i32
    %dma_start3A_50 = arith.constant 0 : i32
    %dma_start3A_51 = tpu.memref_slice %arg7[%add3A_49, %dma_start3A_50] : memref<10000x128xf32, #tpu.memory_space<vmem_shared>> -> memref<25x128xf32, #tpu.memory_space<vmem_shared>>
    %dma_start3A_52 = arith.constant 0 : i32
    %dma_start3A_53 = tpu.memref_slice %arg7[%add3A_49, %dma_start3A_52] : memref<10000x128xf32, #tpu.memory_space<vmem_shared>> -> memref<25x128xf32, #tpu.memory_space<vmem_shared>>
    tpu.enqueue_dma source(%arg12 : memref<25x128xf32, #tpu.memory_space<vmem>>) target(%dma_start3A_53 : memref<25x128xf32, #tpu.memory_space<vmem_shared>>) target_semaphore(%arg17 : memref<!tpu.dma_semaphore, #tpu.memory_space<semaphore_mem>>)
    %add3A_54 = arith.constant 175 : i32
    %add3A_55 = arith.addi %mul3A_2, %add3A_54 : i32
    %dma_start3A_56 = arith.constant 0 : i32
    %dma_start3A_57 = tpu.memref_slice %arg7[%add3A_55, %dma_start3A_56] : memref<10000x128xf32, #tpu.memory_space<vmem_shared>> -> memref<25x128xf32, #tpu.memory_space<vmem_shared>>
    %dma_start3A_58 = arith.constant 0 : i32
    %dma_start3A_59 = tpu.memref_slice %arg7[%add3A_55, %dma_start3A_58] : memref<10000x128xf32, #tpu.memory_space<vmem_shared>> -> memref<25x128xf32, #tpu.memory_space<vmem_shared>>
    tpu.enqueue_dma source(%arg12 : memref<25x128xf32, #tpu.memory_space<vmem>>) target(%dma_start3A_59 : memref<25x128xf32, #tpu.memory_space<vmem_shared>>) target_semaphore(%arg17 : memref<!tpu.dma_semaphore, #tpu.memory_space<semaphore_mem>>)
    %add3A_60 = arith.constant 200 : i32
    %add3A_61 = arith.addi %mul3A_2, %add3A_60 : i32
    %dma_start3A_62 = arith.constant 0 : i32
    %dma_start3A_63 = tpu.memref_slice %arg7[%add3A_61, %dma_start3A_62] : memref<10000x128xf32, #tpu.memory_space<vmem_shared>> -> memref<25x128xf32, #tpu.memory_space<vmem_shared>>
    %dma_start3A_64 = arith.constant 0 : i32
    %dma_start3A_65 = tpu.memref_slice %arg7[%add3A_61, %dma_start3A_64] : memref<10000x128xf32, #tpu.memory_space<vmem_shared>> -> memref<25x128xf32, #tpu.memory_space<vmem_shared>>
    tpu.enqueue_dma source(%arg12 : memref<25x128xf32, #tpu.memory_space<vmem>>) target(%dma_start3A_65 : memref<25x128xf32, #tpu.memory_space<vmem_shared>>) target_semaphore(%arg17 : memref<!tpu.dma_semaphore, #tpu.memory_space<semaphore_mem>>)
    %add3A_66 = arith.constant 225 : i32
    %add3A_67 = arith.addi %mul3A_2, %add3A_66 : i32
    %dma_start3A_68 = arith.constant 0 : i32
    %dma_start3A_69 = tpu.memref_slice %arg7[%add3A_67, %dma_start3A_68] : memref<10000x128xf32, #tpu.memory_space<vmem_shared>> -> memref<25x128xf32, #tpu.memory_space<vmem_shared>>
    %dma_start3A_70 = arith.constant 0 : i32
    %dma_start3A_71 = tpu.memref_slice %arg7[%add3A_67, %dma_start3A_70] : memref<10000x128xf32, #tpu.memory_space<vmem_shared>> -> memref<25x128xf32, #tpu.memory_space<vmem_shared>>
    tpu.enqueue_dma source(%arg12 : memref<25x128xf32, #tpu.memory_space<vmem>>) target(%dma_start3A_71 : memref<25x128xf32, #tpu.memory_space<vmem_shared>>) target_semaphore(%arg17 : memref<!tpu.dma_semaphore, #tpu.memory_space<semaphore_mem>>)
    %add3A_72 = arith.constant 250 : i32
    %add3A_73 = arith.addi %mul3A_2, %add3A_72 : i32
    %dma_start3A_74 = arith.constant 0 : i32
    %dma_start3A_75 = tpu.memref_slice %arg7[%add3A_73, %dma_start3A_74] : memref<10000x128xf32, #tpu.memory_space<vmem_shared>> -> memref<25x128xf32, #tpu.memory_space<vmem_shared>>
    %dma_start3A_76 = arith.constant 0 : i32
    %dma_start3A_77 = tpu.memref_slice %arg7[%add3A_73, %dma_start3A_76] : memref<10000x128xf32, #tpu.memory_space<vmem_shared>> -> memref<25x128xf32, #tpu.memory_space<vmem_shared>>
    tpu.enqueue_dma source(%arg12 : memref<25x128xf32, #tpu.memory_space<vmem>>) target(%dma_start3A_77 : memref<25x128xf32, #tpu.memory_space<vmem_shared>>) target_semaphore(%arg17 : memref<!tpu.dma_semaphore, #tpu.memory_space<semaphore_mem>>)
    %add3A_78 = arith.constant 275 : i32
    %add3A_79 = arith.addi %mul3A_2, %add3A_78 : i32
    %dma_start3A_80 = arith.constant 0 : i32
    %dma_start3A_81 = tpu.memref_slice %arg7[%add3A_79, %dma_start3A_80] : memref<10000x128xf32, #tpu.memory_space<vmem_shared>> -> memref<25x128xf32, #tpu.memory_space<vmem_shared>>
    %dma_start3A_82 = arith.constant 0 : i32
    %dma_start3A_83 = tpu.memref_slice %arg7[%add3A_79, %dma_start3A_82] : memref<10000x128xf32, #tpu.memory_space<vmem_shared>> -> memref<25x128xf32, #tpu.memory_space<vmem_shared>>
    tpu.enqueue_dma source(%arg12 : memref<25x128xf32, #tpu.memory_space<vmem>>) target(%dma_start3A_83 : memref<25x128xf32, #tpu.memory_space<vmem_shared>>) target_semaphore(%arg17 : memref<!tpu.dma_semaphore, #tpu.memory_space<semaphore_mem>>)
    %add3A_84 = arith.constant 300 : i32
    %add3A_85 = arith.addi %mul3A_2, %add3A_84 : i32
    %dma_start3A_86 = arith.constant 0 : i32
    %dma_start3A_87 = tpu.memref_slice %arg7[%add3A_85, %dma_start3A_86] : memref<10000x128xf32, #tpu.memory_space<vmem_shared>> -> memref<25x128xf32, #tpu.memory_space<vmem_shared>>
    %dma_start3A_88 = arith.constant 0 : i32
    %dma_start3A_89 = tpu.memref_slice %arg7[%add3A_85, %dma_start3A_88] : memref<10000x128xf32, #tpu.memory_space<vmem_shared>> -> memref<25x128xf32, #tpu.memory_space<vmem_shared>>
    tpu.enqueue_dma source(%arg12 : memref<25x128xf32, #tpu.memory_space<vmem>>) target(%dma_start3A_89 : memref<25x128xf32, #tpu.memory_space<vmem_shared>>) target_semaphore(%arg17 : memref<!tpu.dma_semaphore, #tpu.memory_space<semaphore_mem>>)
    %add3A_90 = arith.constant 325 : i32
    %add3A_91 = arith.addi %mul3A_2, %add3A_90 : i32
    %dma_start3A_92 = arith.constant 0 : i32
    %dma_start3A_93 = tpu.memref_slice %arg7[%add3A_91, %dma_start3A_92] : memref<10000x128xf32, #tpu.memory_space<vmem_shared>> -> memref<25x128xf32, #tpu.memory_space<vmem_shared>>
    %dma_start3A_94 = arith.constant 0 : i32
    %dma_start3A_95 = tpu.memref_slice %arg7[%add3A_91, %dma_start3A_94] : memref<10000x128xf32, #tpu.memory_space<vmem_shared>> -> memref<25x128xf32, #tpu.memory_space<vmem_shared>>
    tpu.enqueue_dma source(%arg12 : memref<25x128xf32, #tpu.memory_space<vmem>>) target(%dma_start3A_95 : memref<25x128xf32, #tpu.memory_space<vmem_shared>>) target_semaphore(%arg17 : memref<!tpu.dma_semaphore, #tpu.memory_space<semaphore_mem>>)
    %add3A_96 = arith.constant 350 : i32
    %add3A_97 = arith.addi %mul3A_2, %add3A_96 : i32
    %dma_start3A_98 = arith.constant 0 : i32
    %dma_start3A_99 = tpu.memref_slice %arg7[%add3A_97, %dma_start3A_98] : memref<10000x128xf32, #tpu.memory_space<vmem_shared>> -> memref<25x128xf32, #tpu.memory_space<vmem_shared>>
    %dma_start3A_100 = arith.constant 0 : i32
    %dma_start3A_101 = tpu.memref_slice %arg7[%add3A_97, %dma_start3A_100] : memref<10000x128xf32, #tpu.memory_space<vmem_shared>> -> memref<25x128xf32, #tpu.memory_space<vmem_shared>>
    tpu.enqueue_dma source(%arg12 : memref<25x128xf32, #tpu.memory_space<vmem>>) target(%dma_start3A_101 : memref<25x128xf32, #tpu.memory_space<vmem_shared>>) target_semaphore(%arg17 : memref<!tpu.dma_semaphore, #tpu.memory_space<semaphore_mem>>)
    %add3A_102 = arith.constant 375 : i32
    %add3A_103 = arith.addi %mul3A_2, %add3A_102 : i32
    %dma_start3A_104 = arith.constant 0 : i32
    %dma_start3A_105 = tpu.memref_slice %arg7[%add3A_103, %dma_start3A_104] : memref<10000x128xf32, #tpu.memory_space<vmem_shared>> -> memref<25x128xf32, #tpu.memory_space<vmem_shared>>
    %dma_start3A_106 = arith.constant 0 : i32
    %dma_start3A_107 = tpu.memref_slice %arg7[%add3A_103, %dma_start3A_106] : memref<10000x128xf32, #tpu.memory_space<vmem_shared>> -> memref<25x128xf32, #tpu.memory_space<vmem_shared>>
    tpu.enqueue_dma source(%arg12 : memref<25x128xf32, #tpu.memory_space<vmem>>) target(%dma_start3A_107 : memref<25x128xf32, #tpu.memory_space<vmem_shared>>) target_semaphore(%arg17 : memref<!tpu.dma_semaphore, #tpu.memory_space<semaphore_mem>>)
    %add3A_108 = arith.constant 400 : i32
    %add3A_109 = arith.addi %mul3A_2, %add3A_108 : i32
    %dma_start3A_110 = arith.constant 0 : i32
    %dma_start3A_111 = tpu.memref_slice %arg7[%add3A_109, %dma_start3A_110] : memref<10000x128xf32, #tpu.memory_space<vmem_shared>> -> memref<25x128xf32, #tpu.memory_space<vmem_shared>>
    %dma_start3A_112 = arith.constant 0 : i32
    %dma_start3A_113 = tpu.memref_slice %arg7[%add3A_109, %dma_start3A_112] : memref<10000x128xf32, #tpu.memory_space<vmem_shared>> -> memref<25x128xf32, #tpu.memory_space<vmem_shared>>
    tpu.enqueue_dma source(%arg12 : memref<25x128xf32, #tpu.memory_space<vmem>>) target(%dma_start3A_113 : memref<25x128xf32, #tpu.memory_space<vmem_shared>>) target_semaphore(%arg17 : memref<!tpu.dma_semaphore, #tpu.memory_space<semaphore_mem>>)
    %add3A_114 = arith.constant 425 : i32
    %add3A_115 = arith.addi %mul3A_2, %add3A_114 : i32
    %dma_start3A_116 = arith.constant 0 : i32
    %dma_start3A_117 = tpu.memref_slice %arg7[%add3A_115, %dma_start3A_116] : memref<10000x128xf32, #tpu.memory_space<vmem_shared>> -> memref<25x128xf32, #tpu.memory_space<vmem_shared>>
    %dma_start3A_118 = arith.constant 0 : i32
    %dma_start3A_119 = tpu.memref_slice %arg7[%add3A_115, %dma_start3A_118] : memref<10000x128xf32, #tpu.memory_space<vmem_shared>> -> memref<25x128xf32, #tpu.memory_space<vmem_shared>>
    tpu.enqueue_dma source(%arg12 : memref<25x128xf32, #tpu.memory_space<vmem>>) target(%dma_start3A_119 : memref<25x128xf32, #tpu.memory_space<vmem_shared>>) target_semaphore(%arg17 : memref<!tpu.dma_semaphore, #tpu.memory_space<semaphore_mem>>)
    %add3A_120 = arith.constant 450 : i32
    %add3A_121 = arith.addi %mul3A_2, %add3A_120 : i32
    %dma_start3A_122 = arith.constant 0 : i32
    %dma_start3A_123 = tpu.memref_slice %arg7[%add3A_121, %dma_start3A_122] : memref<10000x128xf32, #tpu.memory_space<vmem_shared>> -> memref<25x128xf32, #tpu.memory_space<vmem_shared>>
    %dma_start3A_124 = arith.constant 0 : i32
    %dma_start3A_125 = tpu.memref_slice %arg7[%add3A_121, %dma_start3A_124] : memref<10000x128xf32, #tpu.memory_space<vmem_shared>> -> memref<25x128xf32, #tpu.memory_space<vmem_shared>>
    tpu.enqueue_dma source(%arg12 : memref<25x128xf32, #tpu.memory_space<vmem>>) target(%dma_start3A_125 : memref<25x128xf32, #tpu.memory_space<vmem_shared>>) target_semaphore(%arg17 : memref<!tpu.dma_semaphore, #tpu.memory_space<semaphore_mem>>)
    %add3A_126 = arith.constant 475 : i32
    %add3A_127 = arith.addi %mul3A_2, %add3A_126 : i32
    %dma_start3A_128 = arith.constant 0 : i32
    %dma_start3A_129 = tpu.memref_slice %arg7[%add3A_127, %dma_start3A_128] : memref<10000x128xf32, #tpu.memory_space<vmem_shared>> -> memref<25x128xf32, #tpu.memory_space<vmem_shared>>
    %dma_start3A_130 = arith.constant 0 : i32
    %dma_start3A_131 = tpu.memref_slice %arg7[%add3A_127, %dma_start3A_130] : memref<10000x128xf32, #tpu.memory_space<vmem_shared>> -> memref<25x128xf32, #tpu.memory_space<vmem_shared>>
    tpu.enqueue_dma source(%arg12 : memref<25x128xf32, #tpu.memory_space<vmem>>) target(%dma_start3A_131 : memref<25x128xf32, #tpu.memory_space<vmem_shared>>) target_semaphore(%arg17 : memref<!tpu.dma_semaphore, #tpu.memory_space<semaphore_mem>>)
    %add3A_132 = arith.constant 500 : i32
    %add3A_133 = arith.addi %mul3A_2, %add3A_132 : i32
    %dma_start3A_134 = arith.constant 0 : i32
    %dma_start3A_135 = tpu.memref_slice %arg7[%add3A_133, %dma_start3A_134] : memref<10000x128xf32, #tpu.memory_space<vmem_shared>> -> memref<25x128xf32, #tpu.memory_space<vmem_shared>>
    %dma_start3A_136 = arith.constant 0 : i32
    %dma_start3A_137 = tpu.memref_slice %arg7[%add3A_133, %dma_start3A_136] : memref<10000x128xf32, #tpu.memory_space<vmem_shared>> -> memref<25x128xf32, #tpu.memory_space<vmem_shared>>
    tpu.enqueue_dma source(%arg12 : memref<25x128xf32, #tpu.memory_space<vmem>>) target(%dma_start3A_137 : memref<25x128xf32, #tpu.memory_space<vmem_shared>>) target_semaphore(%arg17 : memref<!tpu.dma_semaphore, #tpu.memory_space<semaphore_mem>>)
    %add3A_138 = arith.constant 525 : i32
    %add3A_139 = arith.addi %mul3A_2, %add3A_138 : i32
    %dma_start3A_140 = arith.constant 0 : i32
    %dma_start3A_141 = tpu.memref_slice %arg7[%add3A_139, %dma_start3A_140] : memref<10000x128xf32, #tpu.memory_space<vmem_shared>> -> memref<25x128xf32, #tpu.memory_space<vmem_shared>>
    %dma_start3A_142 = arith.constant 0 : i32
    %dma_start3A_143 = tpu.memref_slice %arg7[%add3A_139, %dma_start3A_142] : memref<10000x128xf32, #tpu.memory_space<vmem_shared>> -> memref<25x128xf32, #tpu.memory_space<vmem_shared>>
    tpu.enqueue_dma source(%arg12 : memref<25x128xf32, #tpu.memory_space<vmem>>) target(%dma_start3A_143 : memref<25x128xf32, #tpu.memory_space<vmem_shared>>) target_semaphore(%arg17 : memref<!tpu.dma_semaphore, #tpu.memory_space<semaphore_mem>>)
    %add3A_144 = arith.constant 550 : i32
    %add3A_145 = arith.addi %mul3A_2, %add3A_144 : i32
    %dma_start3A_146 = arith.constant 0 : i32
    %dma_start3A_147 = tpu.memref_slice %arg7[%add3A_145, %dma_start3A_146] : memref<10000x128xf32, #tpu.memory_space<vmem_shared>> -> memref<25x128xf32, #tpu.memory_space<vmem_shared>>
    %dma_start3A_148 = arith.constant 0 : i32
    %dma_start3A_149 = tpu.memref_slice %arg7[%add3A_145, %dma_start3A_148] : memref<10000x128xf32, #tpu.memory_space<vmem_shared>> -> memref<25x128xf32, #tpu.memory_space<vmem_shared>>
    tpu.enqueue_dma source(%arg12 : memref<25x128xf32, #tpu.memory_space<vmem>>) target(%dma_start3A_149 : memref<25x128xf32, #tpu.memory_space<vmem_shared>>) target_semaphore(%arg17 : memref<!tpu.dma_semaphore, #tpu.memory_space<semaphore_mem>>)
    %add3A_150 = arith.constant 575 : i32
    %add3A_151 = arith.addi %mul3A_2, %add3A_150 : i32
    %dma_start3A_152 = arith.constant 0 : i32
    %dma_start3A_153 = tpu.memref_slice %arg7[%add3A_151, %dma_start3A_152] : memref<10000x128xf32, #tpu.memory_space<vmem_shared>> -> memref<25x128xf32, #tpu.memory_space<vmem_shared>>
    %dma_start3A_154 = arith.constant 0 : i32
    %dma_start3A_155 = tpu.memref_slice %arg7[%add3A_151, %dma_start3A_154] : memref<10000x128xf32, #tpu.memory_space<vmem_shared>> -> memref<25x128xf32, #tpu.memory_space<vmem_shared>>
    tpu.enqueue_dma source(%arg12 : memref<25x128xf32, #tpu.memory_space<vmem>>) target(%dma_start3A_155 : memref<25x128xf32, #tpu.memory_space<vmem_shared>>) target_semaphore(%arg17 : memref<!tpu.dma_semaphore, #tpu.memory_space<semaphore_mem>>)
    %add3A_156 = arith.constant 600 : i32
    %add3A_157 = arith.addi %mul3A_2, %add3A_156 : i32
    %dma_start3A_158 = arith.constant 0 : i32
    %dma_start3A_159 = tpu.memref_slice %arg7[%add3A_157, %dma_start3A_158] : memref<10000x128xf32, #tpu.memory_space<vmem_shared>> -> memref<25x128xf32, #tpu.memory_space<vmem_shared>>
    %dma_start3A_160 = arith.constant 0 : i32
    %dma_start3A_161 = tpu.memref_slice %arg7[%add3A_157, %dma_start3A_160] : memref<10000x128xf32, #tpu.memory_space<vmem_shared>> -> memref<25x128xf32, #tpu.memory_space<vmem_shared>>
    tpu.enqueue_dma source(%arg12 : memref<25x128xf32, #tpu.memory_space<vmem>>) target(%dma_start3A_161 : memref<25x128xf32, #tpu.memory_space<vmem_shared>>) target_semaphore(%arg17 : memref<!tpu.dma_semaphore, #tpu.memory_space<semaphore_mem>>)
    %add3A_162 = arith.constant 0 : i32
    %add3A_163 = arith.addi %mul3A_2, %add3A_162 : i32
    %dma_wait3A = arith.constant 0 : i32
    %dma_wait3A_164 = tpu.memref_slice %arg7[%add3A_163, %dma_wait3A] : memref<10000x128xf32, #tpu.memory_space<vmem_shared>> -> memref<25x128xf32, #tpu.memory_space<vmem_shared>>
    %dma_wait3A_165 = arith.constant 0 : i32
    %dma_wait3A_166 = tpu.memref_slice %arg7[%add3A_163, %dma_wait3A_165] : memref<10000x128xf32, #tpu.memory_space<vmem_shared>> -> memref<25x128xf32, #tpu.memory_space<vmem_shared>>
    tpu.wait_dma2 semaphore(%arg17 : memref<!tpu.dma_semaphore, #tpu.memory_space<semaphore_mem>>) src(%arg12 : memref<25x128xf32, #tpu.memory_space<vmem>>) dst(%dma_wait3A_166 : memref<25x128xf32, #tpu.memory_space<vmem_shared>>)
    %add3A_167 = arith.constant 25 : i32
    %add3A_168 = arith.addi %mul3A_2, %add3A_167 : i32
    %dma_wait3A_169 = arith.constant 0 : i32
    %dma_wait3A_170 = tpu.memref_slice %arg7[%add3A_168, %dma_wait3A_169] : memref<10000x128xf32, #tpu.memory_space<vmem_shared>> -> memref<25x128xf32, #tpu.memory_space<vmem_shared>>
    %dma_wait3A_171 = arith.constant 0 : i32
    %dma_wait3A_172 = tpu.memref_slice %arg7[%add3A_168, %dma_wait3A_171] : memref<10000x128xf32, #tpu.memory_space<vmem_shared>> -> memref<25x128xf32, #tpu.memory_space<vmem_shared>>
    tpu.wait_dma2 semaphore(%arg17 : memref<!tpu.dma_semaphore, #tpu.memory_space<semaphore_mem>>) src(%arg12 : memref<25x128xf32, #tpu.memory_space<vmem>>) dst(%dma_wait3A_172 : memref<25x128xf32, #tpu.memory_space<vmem_shared>>)
    %add3A_173 = arith.constant 50 : i32
    %add3A_174 = arith.addi %mul3A_2, %add3A_173 : i32
    %dma_wait3A_175 = arith.constant 0 : i32
    %dma_wait3A_176 = tpu.memref_slice %arg7[%add3A_174, %dma_wait3A_175] : memref<10000x128xf32, #tpu.memory_space<vmem_shared>> -> memref<25x128xf32, #tpu.memory_space<vmem_shared>>
    %dma_wait3A_177 = arith.constant 0 : i32
    %dma_wait3A_178 = tpu.memref_slice %arg7[%add3A_174, %dma_wait3A_177] : memref<10000x128xf32, #tpu.memory_space<vmem_shared>> -> memref<25x128xf32, #tpu.memory_space<vmem_shared>>
    tpu.wait_dma2 semaphore(%arg17 : memref<!tpu.dma_semaphore, #tpu.memory_space<semaphore_mem>>) src(%arg12 : memref<25x128xf32, #tpu.memory_space<vmem>>) dst(%dma_wait3A_178 : memref<25x128xf32, #tpu.memory_space<vmem_shared>>)
    %add3A_179 = arith.constant 75 : i32
    %add3A_180 = arith.addi %mul3A_2, %add3A_179 : i32
    %dma_wait3A_181 = arith.constant 0 : i32
    %dma_wait3A_182 = tpu.memref_slice %arg7[%add3A_180, %dma_wait3A_181] : memref<10000x128xf32, #tpu.memory_space<vmem_shared>> -> memref<25x128xf32, #tpu.memory_space<vmem_shared>>
    %dma_wait3A_183 = arith.constant 0 : i32
    %dma_wait3A_184 = tpu.memref_slice %arg7[%add3A_180, %dma_wait3A_183] : memref<10000x128xf32, #tpu.memory_space<vmem_shared>> -> memref<25x128xf32, #tpu.memory_space<vmem_shared>>
    tpu.wait_dma2 semaphore(%arg17 : memref<!tpu.dma_semaphore, #tpu.memory_space<semaphore_mem>>) src(%arg12 : memref<25x128xf32, #tpu.memory_space<vmem>>) dst(%dma_wait3A_184 : memref<25x128xf32, #tpu.memory_space<vmem_shared>>)
    %add3A_185 = arith.constant 100 : i32
    %add3A_186 = arith.addi %mul3A_2, %add3A_185 : i32
    %dma_wait3A_187 = arith.constant 0 : i32
    %dma_wait3A_188 = tpu.memref_slice %arg7[%add3A_186, %dma_wait3A_187] : memref<10000x128xf32, #tpu.memory_space<vmem_shared>> -> memref<25x128xf32, #tpu.memory_space<vmem_shared>>
    %dma_wait3A_189 = arith.constant 0 : i32
    %dma_wait3A_190 = tpu.memref_slice %arg7[%add3A_186, %dma_wait3A_189] : memref<10000x128xf32, #tpu.memory_space<vmem_shared>> -> memref<25x128xf32, #tpu.memory_space<vmem_shared>>
    tpu.wait_dma2 semaphore(%arg17 : memref<!tpu.dma_semaphore, #tpu.memory_space<semaphore_mem>>) src(%arg12 : memref<25x128xf32, #tpu.memory_space<vmem>>) dst(%dma_wait3A_190 : memref<25x128xf32, #tpu.memory_space<vmem_shared>>)
    %add3A_191 = arith.constant 125 : i32
    %add3A_192 = arith.addi %mul3A_2, %add3A_191 : i32
    %dma_wait3A_193 = arith.constant 0 : i32
    %dma_wait3A_194 = tpu.memref_slice %arg7[%add3A_192, %dma_wait3A_193] : memref<10000x128xf32, #tpu.memory_space<vmem_shared>> -> memref<25x128xf32, #tpu.memory_space<vmem_shared>>
    %dma_wait3A_195 = arith.constant 0 : i32
    %dma_wait3A_196 = tpu.memref_slice %arg7[%add3A_192, %dma_wait3A_195] : memref<10000x128xf32, #tpu.memory_space<vmem_shared>> -> memref<25x128xf32, #tpu.memory_space<vmem_shared>>
    tpu.wait_dma2 semaphore(%arg17 : memref<!tpu.dma_semaphore, #tpu.memory_space<semaphore_mem>>) src(%arg12 : memref<25x128xf32, #tpu.memory_space<vmem>>) dst(%dma_wait3A_196 : memref<25x128xf32, #tpu.memory_space<vmem_shared>>)
    %add3A_197 = arith.constant 150 : i32
    %add3A_198 = arith.addi %mul3A_2, %add3A_197 : i32
    %dma_wait3A_199 = arith.constant 0 : i32
    %dma_wait3A_200 = tpu.memref_slice %arg7[%add3A_198, %dma_wait3A_199] : memref<10000x128xf32, #tpu.memory_space<vmem_shared>> -> memref<25x128xf32, #tpu.memory_space<vmem_shared>>
    %dma_wait3A_201 = arith.constant 0 : i32
    %dma_wait3A_202 = tpu.memref_slice %arg7[%add3A_198, %dma_wait3A_201] : memref<10000x128xf32, #tpu.memory_space<vmem_shared>> -> memref<25x128xf32, #tpu.memory_space<vmem_shared>>
    tpu.wait_dma2 semaphore(%arg17 : memref<!tpu.dma_semaphore, #tpu.memory_space<semaphore_mem>>) src(%arg12 : memref<25x128xf32, #tpu.memory_space<vmem>>) dst(%dma_wait3A_202 : memref<25x128xf32, #tpu.memory_space<vmem_shared>>)
    %add3A_203 = arith.constant 175 : i32
    %add3A_204 = arith.addi %mul3A_2, %add3A_203 : i32
    %dma_wait3A_205 = arith.constant 0 : i32
    %dma_wait3A_206 = tpu.memref_slice %arg7[%add3A_204, %dma_wait3A_205] : memref<10000x128xf32, #tpu.memory_space<vmem_shared>> -> memref<25x128xf32, #tpu.memory_space<vmem_shared>>
    %dma_wait3A_207 = arith.constant 0 : i32
    %dma_wait3A_208 = tpu.memref_slice %arg7[%add3A_204, %dma_wait3A_207] : memref<10000x128xf32, #tpu.memory_space<vmem_shared>> -> memref<25x128xf32, #tpu.memory_space<vmem_shared>>
    tpu.wait_dma2 semaphore(%arg17 : memref<!tpu.dma_semaphore, #tpu.memory_space<semaphore_mem>>) src(%arg12 : memref<25x128xf32, #tpu.memory_space<vmem>>) dst(%dma_wait3A_208 : memref<25x128xf32, #tpu.memory_space<vmem_shared>>)
    %add3A_209 = arith.constant 200 : i32
    %add3A_210 = arith.addi %mul3A_2, %add3A_209 : i32
    %dma_wait3A_211 = arith.constant 0 : i32
    %dma_wait3A_212 = tpu.memref_slice %arg7[%add3A_210, %dma_wait3A_211] : memref<10000x128xf32, #tpu.memory_space<vmem_shared>> -> memref<25x128xf32, #tpu.memory_space<vmem_shared>>
    %dma_wait3A_213 = arith.constant 0 : i32
    %dma_wait3A_214 = tpu.memref_slice %arg7[%add3A_210, %dma_wait3A_213] : memref<10000x128xf32, #tpu.memory_space<vmem_shared>> -> memref<25x128xf32, #tpu.memory_space<vmem_shared>>
    tpu.wait_dma2 semaphore(%arg17 : memref<!tpu.dma_semaphore, #tpu.memory_space<semaphore_mem>>) src(%arg12 : memref<25x128xf32, #tpu.memory_space<vmem>>) dst(%dma_wait3A_214 : memref<25x128xf32, #tpu.memory_space<vmem_shared>>)
    %add3A_215 = arith.constant 225 : i32
    %add3A_216 = arith.addi %mul3A_2, %add3A_215 : i32
    %dma_wait3A_217 = arith.constant 0 : i32
    %dma_wait3A_218 = tpu.memref_slice %arg7[%add3A_216, %dma_wait3A_217] : memref<10000x128xf32, #tpu.memory_space<vmem_shared>> -> memref<25x128xf32, #tpu.memory_space<vmem_shared>>
    %dma_wait3A_219 = arith.constant 0 : i32
    %dma_wait3A_220 = tpu.memref_slice %arg7[%add3A_216, %dma_wait3A_219] : memref<10000x128xf32, #tpu.memory_space<vmem_shared>> -> memref<25x128xf32, #tpu.memory_space<vmem_shared>>
    tpu.wait_dma2 semaphore(%arg17 : memref<!tpu.dma_semaphore, #tpu.memory_space<semaphore_mem>>) src(%arg12 : memref<25x128xf32, #tpu.memory_space<vmem>>) dst(%dma_wait3A_220 : memref<25x128xf32, #tpu.memory_space<vmem_shared>>)
    %add3A_221 = arith.constant 250 : i32
    %add3A_222 = arith.addi %mul3A_2, %add3A_221 : i32
    %dma_wait3A_223 = arith.constant 0 : i32
    %dma_wait3A_224 = tpu.memref_slice %arg7[%add3A_222, %dma_wait3A_223] : memref<10000x128xf32, #tpu.memory_space<vmem_shared>> -> memref<25x128xf32, #tpu.memory_space<vmem_shared>>
    %dma_wait3A_225 = arith.constant 0 : i32
    %dma_wait3A_226 = tpu.memref_slice %arg7[%add3A_222, %dma_wait3A_225] : memref<10000x128xf32, #tpu.memory_space<vmem_shared>> -> memref<25x128xf32, #tpu.memory_space<vmem_shared>>
    tpu.wait_dma2 semaphore(%arg17 : memref<!tpu.dma_semaphore, #tpu.memory_space<semaphore_mem>>) src(%arg12 : memref<25x128xf32, #tpu.memory_space<vmem>>) dst(%dma_wait3A_226 : memref<25x128xf32, #tpu.memory_space<vmem_shared>>)
    %add3A_227 = arith.constant 275 : i32
    %add3A_228 = arith.addi %mul3A_2, %add3A_227 : i32
    %dma_wait3A_229 = arith.constant 0 : i32
    %dma_wait3A_230 = tpu.memref_slice %arg7[%add3A_228, %dma_wait3A_229] : memref<10000x128xf32, #tpu.memory_space<vmem_shared>> -> memref<25x128xf32, #tpu.memory_space<vmem_shared>>
    %dma_wait3A_231 = arith.constant 0 : i32
    %dma_wait3A_232 = tpu.memref_slice %arg7[%add3A_228, %dma_wait3A_231] : memref<10000x128xf32, #tpu.memory_space<vmem_shared>> -> memref<25x128xf32, #tpu.memory_space<vmem_shared>>
    tpu.wait_dma2 semaphore(%arg17 : memref<!tpu.dma_semaphore, #tpu.memory_space<semaphore_mem>>) src(%arg12 : memref<25x128xf32, #tpu.memory_space<vmem>>) dst(%dma_wait3A_232 : memref<25x128xf32, #tpu.memory_space<vmem_shared>>)
    %add3A_233 = arith.constant 300 : i32
    %add3A_234 = arith.addi %mul3A_2, %add3A_233 : i32
    %dma_wait3A_235 = arith.constant 0 : i32
    %dma_wait3A_236 = tpu.memref_slice %arg7[%add3A_234, %dma_wait3A_235] : memref<10000x128xf32, #tpu.memory_space<vmem_shared>> -> memref<25x128xf32, #tpu.memory_space<vmem_shared>>
    %dma_wait3A_237 = arith.constant 0 : i32
    %dma_wait3A_238 = tpu.memref_slice %arg7[%add3A_234, %dma_wait3A_237] : memref<10000x128xf32, #tpu.memory_space<vmem_shared>> -> memref<25x128xf32, #tpu.memory_space<vmem_shared>>
    tpu.wait_dma2 semaphore(%arg17 : memref<!tpu.dma_semaphore, #tpu.memory_space<semaphore_mem>>) src(%arg12 : memref<25x128xf32, #tpu.memory_space<vmem>>) dst(%dma_wait3A_238 : memref<25x128xf32, #tpu.memory_space<vmem_shared>>)
    %add3A_239 = arith.constant 325 : i32
    %add3A_240 = arith.addi %mul3A_2, %add3A_239 : i32
    %dma_wait3A_241 = arith.constant 0 : i32
    %dma_wait3A_242 = tpu.memref_slice %arg7[%add3A_240, %dma_wait3A_241] : memref<10000x128xf32, #tpu.memory_space<vmem_shared>> -> memref<25x128xf32, #tpu.memory_space<vmem_shared>>
    %dma_wait3A_243 = arith.constant 0 : i32
    %dma_wait3A_244 = tpu.memref_slice %arg7[%add3A_240, %dma_wait3A_243] : memref<10000x128xf32, #tpu.memory_space<vmem_shared>> -> memref<25x128xf32, #tpu.memory_space<vmem_shared>>
    tpu.wait_dma2 semaphore(%arg17 : memref<!tpu.dma_semaphore, #tpu.memory_space<semaphore_mem>>) src(%arg12 : memref<25x128xf32, #tpu.memory_space<vmem>>) dst(%dma_wait3A_244 : memref<25x128xf32, #tpu.memory_space<vmem_shared>>)
    %add3A_245 = arith.constant 350 : i32
    %add3A_246 = arith.addi %mul3A_2, %add3A_245 : i32
    %dma_wait3A_247 = arith.constant 0 : i32
    %dma_wait3A_248 = tpu.memref_slice %arg7[%add3A_246, %dma_wait3A_247] : memref<10000x128xf32, #tpu.memory_space<vmem_shared>> -> memref<25x128xf32, #tpu.memory_space<vmem_shared>>
    %dma_wait3A_249 = arith.constant 0 : i32
    %dma_wait3A_250 = tpu.memref_slice %arg7[%add3A_246, %dma_wait3A_249] : memref<10000x128xf32, #tpu.memory_space<vmem_shared>> -> memref<25x128xf32, #tpu.memory_space<vmem_shared>>
    tpu.wait_dma2 semaphore(%arg17 : memref<!tpu.dma_semaphore, #tpu.memory_space<semaphore_mem>>) src(%arg12 : memref<25x128xf32, #tpu.memory_space<vmem>>) dst(%dma_wait3A_250 : memref<25x128xf32, #tpu.memory_space<vmem_shared>>)
    %add3A_251 = arith.constant 375 : i32
    %add3A_252 = arith.addi %mul3A_2, %add3A_251 : i32
    %dma_wait3A_253 = arith.constant 0 : i32
    %dma_wait3A_254 = tpu.memref_slice %arg7[%add3A_252, %dma_wait3A_253] : memref<10000x128xf32, #tpu.memory_space<vmem_shared>> -> memref<25x128xf32, #tpu.memory_space<vmem_shared>>
    %dma_wait3A_255 = arith.constant 0 : i32
    %dma_wait3A_256 = tpu.memref_slice %arg7[%add3A_252, %dma_wait3A_255] : memref<10000x128xf32, #tpu.memory_space<vmem_shared>> -> memref<25x128xf32, #tpu.memory_space<vmem_shared>>
    tpu.wait_dma2 semaphore(%arg17 : memref<!tpu.dma_semaphore, #tpu.memory_space<semaphore_mem>>) src(%arg12 : memref<25x128xf32, #tpu.memory_space<vmem>>) dst(%dma_wait3A_256 : memref<25x128xf32, #tpu.memory_space<vmem_shared>>)
    %add3A_257 = arith.constant 400 : i32
    %add3A_258 = arith.addi %mul3A_2, %add3A_257 : i32
    %dma_wait3A_259 = arith.constant 0 : i32
    %dma_wait3A_260 = tpu.memref_slice %arg7[%add3A_258, %dma_wait3A_259] : memref<10000x128xf32, #tpu.memory_space<vmem_shared>> -> memref<25x128xf32, #tpu.memory_space<vmem_shared>>
    %dma_wait3A_261 = arith.constant 0 : i32
    %dma_wait3A_262 = tpu.memref_slice %arg7[%add3A_258, %dma_wait3A_261] : memref<10000x128xf32, #tpu.memory_space<vmem_shared>> -> memref<25x128xf32, #tpu.memory_space<vmem_shared>>
    tpu.wait_dma2 semaphore(%arg17 : memref<!tpu.dma_semaphore, #tpu.memory_space<semaphore_mem>>) src(%arg12 : memref<25x128xf32, #tpu.memory_space<vmem>>) dst(%dma_wait3A_262 : memref<25x128xf32, #tpu.memory_space<vmem_shared>>)
    %add3A_263 = arith.constant 425 : i32
    %add3A_264 = arith.addi %mul3A_2, %add3A_263 : i32
    %dma_wait3A_265 = arith.constant 0 : i32
    %dma_wait3A_266 = tpu.memref_slice %arg7[%add3A_264, %dma_wait3A_265] : memref<10000x128xf32, #tpu.memory_space<vmem_shared>> -> memref<25x128xf32, #tpu.memory_space<vmem_shared>>
    %dma_wait3A_267 = arith.constant 0 : i32
    %dma_wait3A_268 = tpu.memref_slice %arg7[%add3A_264, %dma_wait3A_267] : memref<10000x128xf32, #tpu.memory_space<vmem_shared>> -> memref<25x128xf32, #tpu.memory_space<vmem_shared>>
    tpu.wait_dma2 semaphore(%arg17 : memref<!tpu.dma_semaphore, #tpu.memory_space<semaphore_mem>>) src(%arg12 : memref<25x128xf32, #tpu.memory_space<vmem>>) dst(%dma_wait3A_268 : memref<25x128xf32, #tpu.memory_space<vmem_shared>>)
    %add3A_269 = arith.constant 450 : i32
    %add3A_270 = arith.addi %mul3A_2, %add3A_269 : i32
    %dma_wait3A_271 = arith.constant 0 : i32
    %dma_wait3A_272 = tpu.memref_slice %arg7[%add3A_270, %dma_wait3A_271] : memref<10000x128xf32, #tpu.memory_space<vmem_shared>> -> memref<25x128xf32, #tpu.memory_space<vmem_shared>>
    %dma_wait3A_273 = arith.constant 0 : i32
    %dma_wait3A_274 = tpu.memref_slice %arg7[%add3A_270, %dma_wait3A_273] : memref<10000x128xf32, #tpu.memory_space<vmem_shared>> -> memref<25x128xf32, #tpu.memory_space<vmem_shared>>
    tpu.wait_dma2 semaphore(%arg17 : memref<!tpu.dma_semaphore, #tpu.memory_space<semaphore_mem>>) src(%arg12 : memref<25x128xf32, #tpu.memory_space<vmem>>) dst(%dma_wait3A_274 : memref<25x128xf32, #tpu.memory_space<vmem_shared>>)
    %add3A_275 = arith.constant 475 : i32
    %add3A_276 = arith.addi %mul3A_2, %add3A_275 : i32
    %dma_wait3A_277 = arith.constant 0 : i32
    %dma_wait3A_278 = tpu.memref_slice %arg7[%add3A_276, %dma_wait3A_277] : memref<10000x128xf32, #tpu.memory_space<vmem_shared>> -> memref<25x128xf32, #tpu.memory_space<vmem_shared>>
    %dma_wait3A_279 = arith.constant 0 : i32
    %dma_wait3A_280 = tpu.memref_slice %arg7[%add3A_276, %dma_wait3A_279] : memref<10000x128xf32, #tpu.memory_space<vmem_shared>> -> memref<25x128xf32, #tpu.memory_space<vmem_shared>>
    tpu.wait_dma2 semaphore(%arg17 : memref<!tpu.dma_semaphore, #tpu.memory_space<semaphore_mem>>) src(%arg12 : memref<25x128xf32, #tpu.memory_space<vmem>>) dst(%dma_wait3A_280 : memref<25x128xf32, #tpu.memory_space<vmem_shared>>)
    %add3A_281 = arith.constant 500 : i32
    %add3A_282 = arith.addi %mul3A_2, %add3A_281 : i32
    %dma_wait3A_283 = arith.constant 0 : i32
    %dma_wait3A_284 = tpu.memref_slice %arg7[%add3A_282, %dma_wait3A_283] : memref<10000x128xf32, #tpu.memory_space<vmem_shared>> -> memref<25x128xf32, #tpu.memory_space<vmem_shared>>
    %dma_wait3A_285 = arith.constant 0 : i32
    %dma_wait3A_286 = tpu.memref_slice %arg7[%add3A_282, %dma_wait3A_285] : memref<10000x128xf32, #tpu.memory_space<vmem_shared>> -> memref<25x128xf32, #tpu.memory_space<vmem_shared>>
    tpu.wait_dma2 semaphore(%arg17 : memref<!tpu.dma_semaphore, #tpu.memory_space<semaphore_mem>>) src(%arg12 : memref<25x128xf32, #tpu.memory_space<vmem>>) dst(%dma_wait3A_286 : memref<25x128xf32, #tpu.memory_space<vmem_shared>>)
    %add3A_287 = arith.constant 525 : i32
    %add3A_288 = arith.addi %mul3A_2, %add3A_287 : i32
    %dma_wait3A_289 = arith.constant 0 : i32
    %dma_wait3A_290 = tpu.memref_slice %arg7[%add3A_288, %dma_wait3A_289] : memref<10000x128xf32, #tpu.memory_space<vmem_shared>> -> memref<25x128xf32, #tpu.memory_space<vmem_shared>>
    %dma_wait3A_291 = arith.constant 0 : i32
    %dma_wait3A_292 = tpu.memref_slice %arg7[%add3A_288, %dma_wait3A_291] : memref<10000x128xf32, #tpu.memory_space<vmem_shared>> -> memref<25x128xf32, #tpu.memory_space<vmem_shared>>
    tpu.wait_dma2 semaphore(%arg17 : memref<!tpu.dma_semaphore, #tpu.memory_space<semaphore_mem>>) src(%arg12 : memref<25x128xf32, #tpu.memory_space<vmem>>) dst(%dma_wait3A_292 : memref<25x128xf32, #tpu.memory_space<vmem_shared>>)
    %add3A_293 = arith.constant 550 : i32
    %add3A_294 = arith.addi %mul3A_2, %add3A_293 : i32
    %dma_wait3A_295 = arith.constant 0 : i32
    %dma_wait3A_296 = tpu.memref_slice %arg7[%add3A_294, %dma_wait3A_295] : memref<10000x128xf32, #tpu.memory_space<vmem_shared>> -> memref<25x128xf32, #tpu.memory_space<vmem_shared>>
    %dma_wait3A_297 = arith.constant 0 : i32
    %dma_wait3A_298 = tpu.memref_slice %arg7[%add3A_294, %dma_wait3A_297] : memref<10000x128xf32, #tpu.memory_space<vmem_shared>> -> memref<25x128xf32, #tpu.memory_space<vmem_shared>>
    tpu.wait_dma2 semaphore(%arg17 : memref<!tpu.dma_semaphore, #tpu.memory_space<semaphore_mem>>) src(%arg12 : memref<25x128xf32, #tpu.memory_space<vmem>>) dst(%dma_wait3A_298 : memref<25x128xf32, #tpu.memory_space<vmem_shared>>)
    %add3A_299 = arith.constant 575 : i32
    %add3A_300 = arith.addi %mul3A_2, %add3A_299 : i32
    %dma_wait3A_301 = arith.constant 0 : i32
    %dma_wait3A_302 = tpu.memref_slice %arg7[%add3A_300, %dma_wait3A_301] : memref<10000x128xf32, #tpu.memory_space<vmem_shared>> -> memref<25x128xf32, #tpu.memory_space<vmem_shared>>
    %dma_wait3A_303 = arith.constant 0 : i32
    %dma_wait3A_304 = tpu.memref_slice %arg7[%add3A_300, %dma_wait3A_303] : memref<10000x128xf32, #tpu.memory_space<vmem_shared>> -> memref<25x128xf32, #tpu.memory_space<vmem_shared>>
    tpu.wait_dma2 semaphore(%arg17 : memref<!tpu.dma_semaphore, #tpu.memory_space<semaphore_mem>>) src(%arg12 : memref<25x128xf32, #tpu.memory_space<vmem>>) dst(%dma_wait3A_304 : memref<25x128xf32, #tpu.memory_space<vmem_shared>>)
    %add3A_305 = arith.constant 600 : i32
    %add3A_306 = arith.addi %mul3A_2, %add3A_305 : i32
    %dma_wait3A_307 = arith.constant 0 : i32
    %dma_wait3A_308 = tpu.memref_slice %arg7[%add3A_306, %dma_wait3A_307] : memref<10000x128xf32, #tpu.memory_space<vmem_shared>> -> memref<25x128xf32, #tpu.memory_space<vmem_shared>>
    %dma_wait3A_309 = arith.constant 0 : i32
    %dma_wait3A_310 = tpu.memref_slice %arg7[%add3A_306, %dma_wait3A_309] : memref<10000x128xf32, #tpu.memory_space<vmem_shared>> -> memref<25x128xf32, #tpu.memory_space<vmem_shared>>
    tpu.wait_dma2 semaphore(%arg17 : memref<!tpu.dma_semaphore, #tpu.memory_space<semaphore_mem>>) src(%arg12 : memref<25x128xf32, #tpu.memory_space<vmem>>) dst(%dma_wait3A_310 : memref<25x128xf32, #tpu.memory_space<vmem_shared>>)
    %barrier3A = arith.constant 0 : index
    tpu.barrier barrier_id(%barrier3A)
    %dma_start3A_311 = arith.constant 0 : i32
    %dma_start3A_312 = tpu.memref_slice %arg8[%dma_start3A_311] : memref<10000xi32, #tpu.memory_space<vmem>> -> memref<80xi32, #tpu.memory_space<vmem>>
    %dma_start3A_313 = arith.constant 0 : i32
    %dma_start3A_314 = arith.constant 0 : i32
    %dma_start3A_315 = tpu.memref_slice %arg2[%dma_start3A_313, %dma_start3A_314] : memref<10000x128xf32, #tpu.memory_space<hbm>> -> memref<10000x128xf32, #tpu.memory_space<hbm>>
    tpu.enqueue_indirect_dma source(%dma_start3A_315 : memref<10000x128xf32, #tpu.memory_space<hbm>>) target(%arg10 : memref<80x128xf32, #tpu.memory_space<vmem>>) offsets(%dma_start3A_312 : memref<80xi32, #tpu.memory_space<vmem>>) semaphore(%arg13 : memref<!tpu.dma_semaphore, #tpu.memory_space<semaphore_mem>>)
    %scan3A_316 = arith.constant 0 : i32
    %scan3A_317 = arith.constant 0 : i32
    %scan3A_318 = arith.constant 62 : i32
    %scan3A_319 = arith.addi %scan3A_317, %scan3A_318 : i32
    %scan3A_320 = arith.constant 1 : i32
    scf.for %scan3A_352 = %scan3A_317 to %scan3A_319 step %scan3A_320  : i32 {
      %mul3A_353 = arith.constant 2 : i32
      %mul3A_354 = arith.muli %mul3A_353, %scan3A_352 : i32
      %add3A_355 = arith.constant 1 : i32
      %add3A_356 = arith.addi %mul3A_354, %add3A_355 : i32
      %mul3A_357 = arith.constant 80 : i32
      %mul3A_358 = arith.muli %add3A_356, %mul3A_357 : i32
      %dma_start3A_359 = tpu.memref_slice %arg8[%mul3A_358] : memref<10000xi32, #tpu.memory_space<vmem>> -> memref<80xi32, #tpu.memory_space<vmem>>
      %dma_start3A_360 = arith.constant 0 : i32
      %dma_start3A_361 = arith.constant 0 : i32
      %dma_start3A_362 = tpu.memref_slice %arg2[%dma_start3A_360, %dma_start3A_361] : memref<10000x128xf32, #tpu.memory_space<hbm>> -> memref<10000x128xf32, #tpu.memory_space<hbm>>
      tpu.enqueue_indirect_dma source(%dma_start3A_362 : memref<10000x128xf32, #tpu.memory_space<hbm>>) target(%arg11 : memref<80x128xf32, #tpu.memory_space<vmem>>) offsets(%dma_start3A_359 : memref<80xi32, #tpu.memory_space<vmem>>) semaphore(%arg14 : memref<!tpu.dma_semaphore, #tpu.memory_space<semaphore_mem>>)
      %mul3A_363 = arith.constant 2 : i32
      %mul3A_364 = arith.muli %mul3A_363, %scan3A_352 : i32
      %mul3A_365 = arith.constant 80 : i32
      %mul3A_366 = arith.muli %mul3A_364, %mul3A_365 : i32
      %dma_wait3A_367 = tpu.memref_slice %arg8[%mul3A_366] : memref<10000xi32, #tpu.memory_space<vmem>> -> memref<80xi32, #tpu.memory_space<vmem>>
      %dma_wait3A_368 = arith.constant 0 : i32
      %dma_wait3A_369 = arith.constant 0 : i32
      %dma_wait3A_370 = tpu.memref_slice %arg2[%dma_wait3A_368, %dma_wait3A_369] : memref<10000x128xf32, #tpu.memory_space<hbm>> -> memref<10000x128xf32, #tpu.memory_space<hbm>>
      tpu.wait_indirect_dma semaphore(%arg13 : memref<!tpu.dma_semaphore, #tpu.memory_space<semaphore_mem>>) src(%dma_wait3A_370 : memref<10000x128xf32, #tpu.memory_space<hbm>>) dst(%arg10 : memref<80x128xf32, #tpu.memory_space<vmem>>)
      %mul3A_371 = arith.constant 2 : i32
      %mul3A_372 = arith.muli %mul3A_371, %scan3A_352 : i32
      %mul3A_373 = arith.constant 80 : i32
      %mul3A_374 = arith.muli %mul3A_372, %mul3A_373 : i32
      "tpu.region"() ({
        %run_scoped3A = tpu.sem_alloc : memref<!tpu.dma_semaphore, #tpu.memory_space<semaphore_mem>>
        %dma_start3A_401 = tpu.memref_slice %arg9[%mul3A_374] : memref<10000xi32, #tpu.memory_space<vmem>> -> memref<80xi32, #tpu.memory_space<vmem>>
        %dma_start3A_402 = arith.constant 0 : i32
        %dma_start3A_403 = arith.constant 0 : i32
        %dma_start3A_404 = tpu.memref_slice %arg7[%dma_start3A_402, %dma_start3A_403] : memref<10000x128xf32, #tpu.memory_space<vmem_shared>> -> memref<10000x128xf32, #tpu.memory_space<vmem_shared>>
        tpu.enqueue_indirect_dma source(%arg10 : memref<80x128xf32, #tpu.memory_space<vmem>>) target(%dma_start3A_404 : memref<10000x128xf32, #tpu.memory_space<vmem_shared>>) offsets(%dma_start3A_401 : memref<80xi32, #tpu.memory_space<vmem>>) semaphore(%run_scoped3A : memref<!tpu.dma_semaphore, #tpu.memory_space<semaphore_mem>>) {add = true}
        %dma_wait3A_405 = tpu.memref_slice %arg9[%mul3A_374] : memref<10000xi32, #tpu.memory_space<vmem>> -> memref<80xi32, #tpu.memory_space<vmem>>
        %dma_wait3A_406 = arith.constant 0 : i32
        %dma_wait3A_407 = arith.constant 0 : i32
        %dma_wait3A_408 = tpu.memref_slice %arg7[%dma_wait3A_406, %dma_wait3A_407] : memref<10000x128xf32, #tpu.memory_space<vmem_shared>> -> memref<10000x128xf32, #tpu.memory_space<vmem_shared>>
        tpu.wait_indirect_dma semaphore(%run_scoped3A : memref<!tpu.dma_semaphore, #tpu.memory_space<semaphore_mem>>) src(%arg10 : memref<80x128xf32, #tpu.memory_space<vmem>>) dst(%dma_wait3A_408 : memref<10000x128xf32, #tpu.memory_space<vmem_shared>>)
        tpu.yield
      }) : () -> ()
      %mul3A_375 = arith.constant 2 : i32
      %mul3A_376 = arith.muli %mul3A_375, %scan3A_352 : i32
      %add3A_377 = arith.constant 2 : i32
      %add3A_378 = arith.addi %mul3A_376, %add3A_377 : i32
      %mul3A_379 = arith.constant 80 : i32
      %mul3A_380 = arith.muli %add3A_378, %mul3A_379 : i32
      %dma_start3A_381 = tpu.memref_slice %arg8[%mul3A_380] : memref<10000xi32, #tpu.memory_space<vmem>> -> memref<80xi32, #tpu.memory_space<vmem>>
      %dma_start3A_382 = arith.constant 0 : i32
      %dma_start3A_383 = arith.constant 0 : i32
      %dma_start3A_384 = tpu.memref_slice %arg2[%dma_start3A_382, %dma_start3A_383] : memref<10000x128xf32, #tpu.memory_space<hbm>> -> memref<10000x128xf32, #tpu.memory_space<hbm>>
      tpu.enqueue_indirect_dma source(%dma_start3A_384 : memref<10000x128xf32, #tpu.memory_space<hbm>>) target(%arg10 : memref<80x128xf32, #tpu.memory_space<vmem>>) offsets(%dma_start3A_381 : memref<80xi32, #tpu.memory_space<vmem>>) semaphore(%arg13 : memref<!tpu.dma_semaphore, #tpu.memory_space<semaphore_mem>>)
      %mul3A_385 = arith.constant 2 : i32
      %mul3A_386 = arith.muli %mul3A_385, %scan3A_352 : i32
      %add3A_387 = arith.constant 1 : i32
      %add3A_388 = arith.addi %mul3A_386, %add3A_387 : i32
      %mul3A_389 = arith.constant 80 : i32
      %mul3A_390 = arith.muli %add3A_388, %mul3A_389 : i32
      %dma_wait3A_391 = tpu.memref_slice %arg8[%mul3A_390] : memref<10000xi32, #tpu.memory_space<vmem>> -> memref<80xi32, #tpu.memory_space<vmem>>
      %dma_wait3A_392 = arith.constant 0 : i32
      %dma_wait3A_393 = arith.constant 0 : i32
      %dma_wait3A_394 = tpu.memref_slice %arg2[%dma_wait3A_392, %dma_wait3A_393] : memref<10000x128xf32, #tpu.memory_space<hbm>> -> memref<10000x128xf32, #tpu.memory_space<hbm>>
      tpu.wait_indirect_dma semaphore(%arg14 : memref<!tpu.dma_semaphore, #tpu.memory_space<semaphore_mem>>) src(%dma_wait3A_394 : memref<10000x128xf32, #tpu.memory_space<hbm>>) dst(%arg11 : memref<80x128xf32, #tpu.memory_space<vmem>>)
      %mul3A_395 = arith.constant 2 : i32
      %mul3A_396 = arith.muli %mul3A_395, %scan3A_352 : i32
      %add3A_397 = arith.constant 1 : i32
      %add3A_398 = arith.addi %mul3A_396, %add3A_397 : i32
      %mul3A_399 = arith.constant 80 : i32
      %mul3A_400 = arith.muli %add3A_398, %mul3A_399 : i32
      "tpu.region"() ({
        %run_scoped3A = tpu.sem_alloc : memref<!tpu.dma_semaphore, #tpu.memory_space<semaphore_mem>>
        %dma_start3A_401 = tpu.memref_slice %arg9[%mul3A_400] : memref<10000xi32, #tpu.memory_space<vmem>> -> memref<80xi32, #tpu.memory_space<vmem>>
        %dma_start3A_402 = arith.constant 0 : i32
        %dma_start3A_403 = arith.constant 0 : i32
        %dma_start3A_404 = tpu.memref_slice %arg7[%dma_start3A_402, %dma_start3A_403] : memref<10000x128xf32, #tpu.memory_space<vmem_shared>> -> memref<10000x128xf32, #tpu.memory_space<vmem_shared>>
        tpu.enqueue_indirect_dma source(%arg11 : memref<80x128xf32, #tpu.memory_space<vmem>>) target(%dma_start3A_404 : memref<10000x128xf32, #tpu.memory_space<vmem_shared>>) offsets(%dma_start3A_401 : memref<80xi32, #tpu.memory_space<vmem>>) semaphore(%run_scoped3A : memref<!tpu.dma_semaphore, #tpu.memory_space<semaphore_mem>>) {add = true}
        %dma_wait3A_405 = tpu.memref_slice %arg9[%mul3A_400] : memref<10000xi32, #tpu.memory_space<vmem>> -> memref<80xi32, #tpu.memory_space<vmem>>
        %dma_wait3A_406 = arith.constant 0 : i32
        %dma_wait3A_407 = arith.constant 0 : i32
        %dma_wait3A_408 = tpu.memref_slice %arg7[%dma_wait3A_406, %dma_wait3A_407] : memref<10000x128xf32, #tpu.memory_space<vmem_shared>> -> memref<10000x128xf32, #tpu.memory_space<vmem_shared>>
        tpu.wait_indirect_dma semaphore(%run_scoped3A : memref<!tpu.dma_semaphore, #tpu.memory_space<semaphore_mem>>) src(%arg11 : memref<80x128xf32, #tpu.memory_space<vmem>>) dst(%dma_wait3A_408 : memref<10000x128xf32, #tpu.memory_space<vmem_shared>>)
        tpu.yield
      }) : () -> ()
    }
    %scan3A_321 = arith.constant 62 : i32
    %dma_wait3A_322 = arith.constant 9920 : i32
    %dma_wait3A_323 = tpu.memref_slice %arg8[%dma_wait3A_322] : memref<10000xi32, #tpu.memory_space<vmem>> -> memref<80xi32, #tpu.memory_space<vmem>>
    %dma_wait3A_324 = arith.constant 0 : i32
    %dma_wait3A_325 = arith.constant 0 : i32
    %dma_wait3A_326 = tpu.memref_slice %arg2[%dma_wait3A_324, %dma_wait3A_325] : memref<10000x128xf32, #tpu.memory_space<hbm>> -> memref<10000x128xf32, #tpu.memory_space<hbm>>
    tpu.wait_indirect_dma semaphore(%arg13 : memref<!tpu.dma_semaphore, #tpu.memory_space<semaphore_mem>>) src(%dma_wait3A_326 : memref<10000x128xf32, #tpu.memory_space<hbm>>) dst(%arg10 : memref<80x128xf32, #tpu.memory_space<vmem>>)
    "tpu.region"() ({
      %run_scoped3A = tpu.sem_alloc : memref<!tpu.dma_semaphore, #tpu.memory_space<semaphore_mem>>
      %dma_start3A_352 = arith.constant 9920 : i32
      %dma_start3A_353 = tpu.memref_slice %arg9[%dma_start3A_352] : memref<10000xi32, #tpu.memory_space<vmem>> -> memref<80xi32, #tpu.memory_space<vmem>>
      %dma_start3A_354 = arith.constant 0 : i32
      %dma_start3A_355 = arith.constant 0 : i32
      %dma_start3A_356 = tpu.memref_slice %arg7[%dma_start3A_354, %dma_start3A_355] : memref<10000x128xf32, #tpu.memory_space<vmem_shared>> -> memref<10000x128xf32, #tpu.memory_space<vmem_shared>>
      tpu.enqueue_indirect_dma source(%arg10 : memref<80x128xf32, #tpu.memory_space<vmem>>) target(%dma_start3A_356 : memref<10000x128xf32, #tpu.memory_space<vmem_shared>>) offsets(%dma_start3A_353 : memref<80xi32, #tpu.memory_space<vmem>>) semaphore(%run_scoped3A : memref<!tpu.dma_semaphore, #tpu.memory_space<semaphore_mem>>) {add = true}
      %dma_wait3A_357 = arith.constant 9920 : i32
      %dma_wait3A_358 = tpu.memref_slice %arg9[%dma_wait3A_357] : memref<10000xi32, #tpu.memory_space<vmem>> -> memref<80xi32, #tpu.memory_space<vmem>>
      %dma_wait3A_359 = arith.constant 0 : i32
      %dma_wait3A_360 = arith.constant 0 : i32
      %dma_wait3A_361 = tpu.memref_slice %arg7[%dma_wait3A_359, %dma_wait3A_360] : memref<10000x128xf32, #tpu.memory_space<vmem_shared>> -> memref<10000x128xf32, #tpu.memory_space<vmem_shared>>
      tpu.wait_indirect_dma semaphore(%run_scoped3A : memref<!tpu.dma_semaphore, #tpu.memory_space<semaphore_mem>>) src(%arg10 : memref<80x128xf32, #tpu.memory_space<vmem>>) dst(%dma_wait3A_361 : memref<10000x128xf32, #tpu.memory_space<vmem_shared>>)
      tpu.yield
    }) : () -> ()
    %barrier3A_327 = arith.constant 0 : index
    tpu.barrier barrier_id(%barrier3A_327)
    "tpu.region"() ({
      %run_scoped3A = tpu.sem_alloc : memref<!tpu.dma_semaphore, #tpu.memory_space<semaphore_mem>>
      %dma_start3A_352 = arith.constant 0 : i32
      %dma_start3A_353 = arith.constant 0 : i32
      %dma_start3A_354 = tpu.memref_slice %arg5[%arg0, %arg1, %dma_start3A_352, %dma_start3A_353] : memref<2x16x625x128xf32, #tpu.memory_space<hbm>> -> memref<1x1x625x128xf32, #tpu.memory_space<hbm>>
      %dma_start3A_355 = tpu.memref_squeeze %dma_start3A_354 : memref<1x1x625x128xf32, #tpu.memory_space<hbm>> -> memref<625x128xf32, #tpu.memory_space<hbm>>
      %dma_start3A_356 = arith.constant 0 : i32
      %dma_start3A_357 = tpu.memref_slice %arg7[%mul3A_2, %dma_start3A_356] : memref<10000x128xf32, #tpu.memory_space<vmem_shared>> -> memref<625x128xf32, #tpu.memory_space<vmem_shared>>
      tpu.enqueue_dma source(%dma_start3A_357 : memref<625x128xf32, #tpu.memory_space<vmem_shared>>) target(%dma_start3A_355 : memref<625x128xf32, #tpu.memory_space<hbm>>) target_semaphore(%run_scoped3A : memref<!tpu.dma_semaphore, #tpu.memory_space<semaphore_mem>>)
      %dma_wait3A_358 = arith.constant 0 : i32
      %dma_wait3A_359 = arith.constant 0 : i32
      %dma_wait3A_360 = tpu.memref_slice %arg5[%arg0, %arg1, %dma_wait3A_358, %dma_wait3A_359] : memref<2x16x625x128xf32, #tpu.memory_space<hbm>> -> memref<1x1x625x128xf32, #tpu.memory_space<hbm>>
      %dma_wait3A_361 = tpu.memref_squeeze %dma_wait3A_360 : memref<1x1x625x128xf32, #tpu.memory_space<hbm>> -> memref<625x128xf32, #tpu.memory_space<hbm>>
      %dma_wait3A_362 = arith.constant 0 : i32
      %dma_wait3A_363 = tpu.memref_slice %arg7[%mul3A_2, %dma_wait3A_362] : memref<10000x128xf32, #tpu.memory_space<vmem_shared>> -> memref<625x128xf32, #tpu.memory_space<vmem_shared>>
      tpu.wait_dma2 semaphore(%run_scoped3A : memref<!tpu.dma_semaphore, #tpu.memory_space<semaphore_mem>>) src(%dma_wait3A_363 : memref<625x128xf32, #tpu.memory_space<vmem_shared>>) dst(%dma_wait3A_361 : memref<625x128xf32, #tpu.memory_space<hbm>>)
      tpu.yield
    }) : () -> ()
    %barrier3A_328 = arith.constant 0 : index
    tpu.barrier barrier_id(%barrier3A_328)
    %scan3A_329 = arith.constant 0 : i32
    %scan3A_330 = arith.constant 0 : i32
    %scan3A_331 = arith.constant 80 : i32
    %scan3A_332 = arith.addi %scan3A_330, %scan3A_331 : i32
    %scan3A_333 = arith.constant 1 : i32
    scf.for %scan3A_352 = %scan3A_330 to %scan3A_332 step %scan3A_333  : i32 {
      %swap3A = arith.index_cast %scan3A_352 : i32 to index
      %swap3A_353 = arith.constant 0 : index
      %swap3A_354 = tpu.vector_load %arg10[%swap3A, %swap3A_353] {strides = array<i32>} : memref<80x128xf32, #tpu.memory_space<vmem>>, vector<1x16xf32>,
      %swap3A_355 = vector.shape_cast %swap3A_354 : vector<1x16xf32> to vector<16xf32>
      %swap3A_356 = vector.shape_cast %broadcast_in_dim3A_5 : vector<16xf32> to vector<1x16xf32>
      tpu.vector_store %arg10[%swap3A, %swap3A_353], %swap3A_356 {strides = array<i32>} : memref<80x128xf32, #tpu.memory_space<vmem>>, vector<1x16xf32>,
      %swap3A_357 = arith.index_cast %scan3A_352 : i32 to index
      %swap3A_358 = arith.constant 16 : index
      %swap3A_359 = tpu.vector_load %arg10[%swap3A_357, %swap3A_358] {strides = array<i32>} : memref<80x128xf32, #tpu.memory_space<vmem>>, vector<1x16xf32>,
      %swap3A_360 = vector.shape_cast %swap3A_359 : vector<1x16xf32> to vector<16xf32>
      %swap3A_361 = vector.shape_cast %broadcast_in_dim3A_5 : vector<16xf32> to vector<1x16xf32>
      tpu.vector_store %arg10[%swap3A_357, %swap3A_358], %swap3A_361 {strides = array<i32>} : memref<80x128xf32, #tpu.memory_space<vmem>>, vector<1x16xf32>,
      %swap3A_362 = arith.index_cast %scan3A_352 : i32 to index
      %swap3A_363 = arith.constant 32 : index
      %swap3A_364 = tpu.vector_load %arg10[%swap3A_362, %swap3A_363] {strides = array<i32>} : memref<80x128xf32, #tpu.memory_space<vmem>>, vector<1x16xf32>,
      %swap3A_365 = vector.shape_cast %swap3A_364 : vector<1x16xf32> to vector<16xf32>
      %swap3A_366 = vector.shape_cast %broadcast_in_dim3A_5 : vector<16xf32> to vector<1x16xf32>
      tpu.vector_store %arg10[%swap3A_362, %swap3A_363], %swap3A_366 {strides = array<i32>} : memref<80x128xf32, #tpu.memory_space<vmem>>, vector<1x16xf32>,
      %swap3A_367 = arith.index_cast %scan3A_352 : i32 to index
      %swap3A_368 = arith.constant 48 : index
      %swap3A_369 = tpu.vector_load %arg10[%swap3A_367, %swap3A_368] {strides = array<i32>} : memref<80x128xf32, #tpu.memory_space<vmem>>, vector<1x16xf32>,
      %swap3A_370 = vector.shape_cast %swap3A_369 : vector<1x16xf32> to vector<16xf32>
      %swap3A_371 = vector.shape_cast %broadcast_in_dim3A_5 : vector<16xf32> to vector<1x16xf32>
      tpu.vector_store %arg10[%swap3A_367, %swap3A_368], %swap3A_371 {strides = array<i32>} : memref<80x128xf32, #tpu.memory_space<vmem>>, vector<1x16xf32>,
      %swap3A_372 = arith.index_cast %scan3A_352 : i32 to index
      %swap3A_373 = arith.constant 64 : index
      %swap3A_374 = tpu.vector_load %arg10[%swap3A_372, %swap3A_373] {strides = array<i32>} : memref<80x128xf32, #tpu.memory_space<vmem>>, vector<1x16xf32>,
      %swap3A_375 = vector.shape_cast %swap3A_374 : vector<1x16xf32> to vector<16xf32>
      %swap3A_376 = vector.shape_cast %broadcast_in_dim3A_5 : vector<16xf32> to vector<1x16xf32>
      tpu.vector_store %arg10[%swap3A_372, %swap3A_373], %swap3A_376 {strides = array<i32>} : memref<80x128xf32, #tpu.memory_space<vmem>>, vector<1x16xf32>,
      %swap3A_377 = arith.index_cast %scan3A_352 : i32 to index
      %swap3A_378 = arith.constant 80 : index
      %swap3A_379 = tpu.vector_load %arg10[%swap3A_377, %swap3A_378] {strides = array<i32>} : memref<80x128xf32, #tpu.memory_space<vmem>>, vector<1x16xf32>,
      %swap3A_380 = vector.shape_cast %swap3A_379 : vector<1x16xf32> to vector<16xf32>
      %swap3A_381 = vector.shape_cast %broadcast_in_dim3A_5 : vector<16xf32> to vector<1x16xf32>
      tpu.vector_store %arg10[%swap3A_377, %swap3A_378], %swap3A_381 {strides = array<i32>} : memref<80x128xf32, #tpu.memory_space<vmem>>, vector<1x16xf32>,
      %swap3A_382 = arith.index_cast %scan3A_352 : i32 to index
      %swap3A_383 = arith.constant 96 : index
      %swap3A_384 = tpu.vector_load %arg10[%swap3A_382, %swap3A_383] {strides = array<i32>} : memref<80x128xf32, #tpu.memory_space<vmem>>, vector<1x16xf32>,
      %swap3A_385 = vector.shape_cast %swap3A_384 : vector<1x16xf32> to vector<16xf32>
      %swap3A_386 = vector.shape_cast %broadcast_in_dim3A_5 : vector<16xf32> to vector<1x16xf32>
      tpu.vector_store %arg10[%swap3A_382, %swap3A_383], %swap3A_386 {strides = array<i32>} : memref<80x128xf32, #tpu.memory_space<vmem>>, vector<1x16xf32>,
      %swap3A_387 = arith.index_cast %scan3A_352 : i32 to index
      %swap3A_388 = arith.constant 112 : index
      %swap3A_389 = tpu.vector_load %arg10[%swap3A_387, %swap3A_388] {strides = array<i32>} : memref<80x128xf32, #tpu.memory_space<vmem>>, vector<1x16xf32>,
      %swap3A_390 = vector.shape_cast %swap3A_389 : vector<1x16xf32> to vector<16xf32>
      %swap3A_391 = vector.shape_cast %broadcast_in_dim3A_5 : vector<16xf32> to vector<1x16xf32>
      tpu.vector_store %arg10[%swap3A_387, %swap3A_388], %swap3A_391 {strides = array<i32>} : memref<80x128xf32, #tpu.memory_space<vmem>>, vector<1x16xf32>,
    }
    %scan3A_334 = arith.constant 80 : i32
    %dma_start3A_335 = arith.constant 0 : i32
    %dma_start3A_336 = tpu.memref_slice %arg9[%dma_start3A_335] : memref<10000xi32, #tpu.memory_space<vmem>> -> memref<80xi32, #tpu.memory_space<vmem>>
    %dma_start3A_337 = arith.constant 0 : i32
    %dma_start3A_338 = arith.constant 0 : i32
    %dma_start3A_339 = tpu.memref_slice %arg7[%dma_start3A_337, %dma_start3A_338] : memref<10000x128xf32, #tpu.memory_space<vmem_shared>> -> memref<10000x128xf32, #tpu.memory_space<vmem_shared>>
    tpu.enqueue_indirect_dma source(%arg10 : memref<80x128xf32, #tpu.memory_space<vmem>>) target(%dma_start3A_339 : memref<10000x128xf32, #tpu.memory_space<vmem_shared>>) offsets(%dma_start3A_336 : memref<80xi32, #tpu.memory_space<vmem>>) semaphore(%arg15 : memref<!tpu.dma_semaphore, #tpu.memory_space<semaphore_mem>>) {add = true}
    %scan3A_340 = arith.constant 0 : i32
    %scan3A_341 = arith.constant 0 : i32
    %scan3A_342 = arith.constant 62 : i32
    %scan3A_343 = arith.addi %scan3A_341, %scan3A_342 : i32
    %scan3A_344 = arith.constant 1 : i32
    scf.for %scan3A_352 = %scan3A_341 to %scan3A_343 step %scan3A_344  : i32 {
      %mul3A_353 = arith.constant 2 : i32
      %mul3A_354 = arith.muli %mul3A_353, %scan3A_352 : i32
      %add3A_355 = arith.constant 1 : i32
      %add3A_356 = arith.addi %mul3A_354, %add3A_355 : i32
      %mul3A_357 = arith.constant 80 : i32
      %mul3A_358 = arith.muli %add3A_356, %mul3A_357 : i32
      %dma_start3A_359 = tpu.memref_slice %arg9[%mul3A_358] : memref<10000xi32, #tpu.memory_space<vmem>> -> memref<80xi32, #tpu.memory_space<vmem>>
      %dma_start3A_360 = arith.constant 0 : i32
      %dma_start3A_361 = arith.constant 0 : i32
      %dma_start3A_362 = tpu.memref_slice %arg7[%dma_start3A_360, %dma_start3A_361] : memref<10000x128xf32, #tpu.memory_space<vmem_shared>> -> memref<10000x128xf32, #tpu.memory_space<vmem_shared>>
      tpu.enqueue_indirect_dma source(%arg10 : memref<80x128xf32, #tpu.memory_space<vmem>>) target(%dma_start3A_362 : memref<10000x128xf32, #tpu.memory_space<vmem_shared>>) offsets(%dma_start3A_359 : memref<80xi32, #tpu.memory_space<vmem>>) semaphore(%arg16 : memref<!tpu.dma_semaphore, #tpu.memory_space<semaphore_mem>>) {add = true}
      %mul3A_363 = arith.constant 2 : i32
      %mul3A_364 = arith.muli %mul3A_363, %scan3A_352 : i32
      %mul3A_365 = arith.constant 80 : i32
      %mul3A_366 = arith.muli %mul3A_364, %mul3A_365 : i32
      %dma_wait3A_367 = tpu.memref_slice %arg9[%mul3A_366] : memref<10000xi32, #tpu.memory_space<vmem>> -> memref<80xi32, #tpu.memory_space<vmem>>
      %dma_wait3A_368 = arith.constant 0 : i32
      %dma_wait3A_369 = arith.constant 0 : i32
      %dma_wait3A_370 = tpu.memref_slice %arg7[%dma_wait3A_368, %dma_wait3A_369] : memref<10000x128xf32, #tpu.memory_space<vmem_shared>> -> memref<10000x128xf32, #tpu.memory_space<vmem_shared>>
      tpu.wait_indirect_dma semaphore(%arg15 : memref<!tpu.dma_semaphore, #tpu.memory_space<semaphore_mem>>) src(%arg10 : memref<80x128xf32, #tpu.memory_space<vmem>>) dst(%dma_wait3A_370 : memref<10000x128xf32, #tpu.memory_space<vmem_shared>>)
      %mul3A_371 = arith.constant 2 : i32
      %mul3A_372 = arith.muli %mul3A_371, %scan3A_352 : i32
      %add3A_373 = arith.constant 2 : i32
      %add3A_374 = arith.addi %mul3A_372, %add3A_373 : i32
      %mul3A_375 = arith.constant 80 : i32
      %mul3A_376 = arith.muli %add3A_374, %mul3A_375 : i32
      %dma_start3A_377 = tpu.memref_slice %arg9[%mul3A_376] : memref<10000xi32, #tpu.memory_space<vmem>> -> memref<80xi32, #tpu.memory_space<vmem>>
      %dma_start3A_378 = arith.constant 0 : i32
      %dma_start3A_379 = arith.constant 0 : i32
      %dma_start3A_380 = tpu.memref_slice %arg7[%dma_start3A_378, %dma_start3A_379] : memref<10000x128xf32, #tpu.memory_space<vmem_shared>> -> memref<10000x128xf32, #tpu.memory_space<vmem_shared>>
      tpu.enqueue_indirect_dma source(%arg10 : memref<80x128xf32, #tpu.memory_space<vmem>>) target(%dma_start3A_380 : memref<10000x128xf32, #tpu.memory_space<vmem_shared>>) offsets(%dma_start3A_377 : memref<80xi32, #tpu.memory_space<vmem>>) semaphore(%arg15 : memref<!tpu.dma_semaphore, #tpu.memory_space<semaphore_mem>>) {add = true}
      %mul3A_381 = arith.constant 2 : i32
      %mul3A_382 = arith.muli %mul3A_381, %scan3A_352 : i32
      %add3A_383 = arith.constant 1 : i32
      %add3A_384 = arith.addi %mul3A_382, %add3A_383 : i32
      %mul3A_385 = arith.constant 80 : i32
      %mul3A_386 = arith.muli %add3A_384, %mul3A_385 : i32
      %dma_wait3A_387 = tpu.memref_slice %arg9[%mul3A_386] : memref<10000xi32, #tpu.memory_space<vmem>> -> memref<80xi32, #tpu.memory_space<vmem>>
      %dma_wait3A_388 = arith.constant 0 : i32
      %dma_wait3A_389 = arith.constant 0 : i32
      %dma_wait3A_390 = tpu.memref_slice %arg7[%dma_wait3A_388, %dma_wait3A_389] : memref<10000x128xf32, #tpu.memory_space<vmem_shared>> -> memref<10000x128xf32, #tpu.memory_space<vmem_shared>>
      tpu.wait_indirect_dma semaphore(%arg16 : memref<!tpu.dma_semaphore, #tpu.memory_space<semaphore_mem>>) src(%arg10 : memref<80x128xf32, #tpu.memory_space<vmem>>) dst(%dma_wait3A_390 : memref<10000x128xf32, #tpu.memory_space<vmem_shared>>)
    }
    %scan3A_345 = arith.constant 62 : i32
    %dma_wait3A_346 = arith.constant 9920 : i32
    %dma_wait3A_347 = tpu.memref_slice %arg9[%dma_wait3A_346] : memref<10000xi32, #tpu.memory_space<vmem>> -> memref<80xi32, #tpu.memory_space<vmem>>
    %dma_wait3A_348 = arith.constant 0 : i32
    %dma_wait3A_349 = arith.constant 0 : i32
    %dma_wait3A_350 = tpu.memref_slice %arg7[%dma_wait3A_348, %dma_wait3A_349] : memref<10000x128xf32, #tpu.memory_space<vmem_shared>> -> memref<10000x128xf32, #tpu.memory_space<vmem_shared>>
    tpu.wait_indirect_dma semaphore(%arg15 : memref<!tpu.dma_semaphore, #tpu.memory_space<semaphore_mem>>) src(%arg10 : memref<80x128xf32, #tpu.memory_space<vmem>>) dst(%dma_wait3A_350 : memref<10000x128xf32, #tpu.memory_space<vmem_shared>>)
    %barrier3A_351 = arith.constant 0 : index
    tpu.barrier barrier_id(%barrier3A_351)
    "tpu.region"() ({
      %run_scoped3A = tpu.sem_alloc : memref<!tpu.dma_semaphore, #tpu.memory_space<semaphore_mem>>
      %dma_start3A_352 = arith.constant 0 : i32
      %dma_start3A_353 = arith.constant 0 : i32
      %dma_start3A_354 = tpu.memref_slice %arg6[%arg0, %arg1, %dma_start3A_352, %dma_start3A_353] : memref<2x16x625x128xf32, #tpu.memory_space<hbm>> -> memref<1x1x625x128xf32, #tpu.memory_space<hbm>>
      %dma_start3A_355 = tpu.memref_squeeze %dma_start3A_354 : memref<1x1x625x128xf32, #tpu.memory_space<hbm>> -> memref<625x128xf32, #tpu.memory_space<hbm>>
      %dma_start3A_356 = arith.constant 0 : i32
      %dma_start3A_357 = tpu.memref_slice %arg7[%mul3A_2, %dma_start3A_356] : memref<10000x128xf32, #tpu.memory_space<vmem_shared>> -> memref<625x128xf32, #tpu.memory_space<vmem_shared>>
      tpu.enqueue_dma source(%dma_start3A_357 : memref<625x128xf32, #tpu.memory_space<vmem_shared>>) target(%dma_start3A_355 : memref<625x128xf32, #tpu.memory_space<hbm>>) target_semaphore(%run_scoped3A : memref<!tpu.dma_semaphore, #tpu.memory_space<semaphore_mem>>)
      %dma_wait3A_358 = arith.constant 0 : i32
      %dma_wait3A_359 = arith.constant 0 : i32
      %dma_wait3A_360 = tpu.memref_slice %arg6[%arg0, %arg1, %dma_wait3A_358, %dma_wait3A_359] : memref<2x16x625x128xf32, #tpu.memory_space<hbm>> -> memref<1x1x625x128xf32, #tpu.memory_space<hbm>>
      %dma_wait3A_361 = tpu.memref_squeeze %dma_wait3A_360 : memref<1x1x625x128xf32, #tpu.memory_space<hbm>> -> memref<625x128xf32, #tpu.memory_space<hbm>>
      %dma_wait3A_362 = arith.constant 0 : i32
      %dma_wait3A_363 = tpu.memref_slice %arg7[%mul3A_2, %dma_wait3A_362] : memref<10000x128xf32, #tpu.memory_space<vmem_shared>> -> memref<625x128xf32, #tpu.memory_space<vmem_shared>>
      tpu.wait_dma2 semaphore(%run_scoped3A : memref<!tpu.dma_semaphore, #tpu.memory_space<semaphore_mem>>) src(%dma_wait3A_363 : memref<625x128xf32, #tpu.memory_space<vmem_shared>>) dst(%dma_wait3A_361 : memref<625x128xf32, #tpu.memory_space<hbm>>)
      tpu.yield
    }) : () -> ()
    return
  }
}

module attributes {stable_mosaic.version = 14 : i64} {
  func.func @body(%arg0: i32, %arg1: memref<2x2000x128xf32, #tpu.memory_space<vmem>>, %arg2: memref<2x2000x128xf32, #tpu.memory_space<vmem>>, %arg3: memref<2000x128xf32, #tpu.memory_space<vmem>>) attributes {dimension_semantics = [#tpu.dimension_semantics<arbitrary>], iteration_bounds = array<i64: 5>, scalar_prefetch = 0 : i64, scratch_operands = 0 : i64, tpu.core_type = #tpu.core_type<tc>, window_params = [{transform_indices = @transform_0, window_bounds = array<i64: 2, 2000, 128>}, {transform_indices = @transform_1, window_bounds = array<i64: 2, 2000, 128>}, {transform_indices = @transform_2, window_bounds = array<i64: 2000, 128>}]} {
    %get3A = arith.constant 0 : index
    %get3A_0 = arith.constant 0 : index
    %get3A_1 = arith.constant 0 : index
    %get3A_2 = vector.load %arg1[%get3A, %get3A_0, %get3A_1] : memref<2x2000x128xf32, #tpu.memory_space<vmem>>, vector<1x2000x128xf32>
    %get3A_3 = vector.shape_cast %get3A_2 : vector<1x2000x128xf32> to vector<2000x128xf32>
    %get3A_4 = arith.constant 1 : index
    %get3A_5 = arith.constant 0 : index
    %get3A_6 = arith.constant 0 : index
    %get3A_7 = vector.load %arg1[%get3A_4, %get3A_5, %get3A_6] : memref<2x2000x128xf32, #tpu.memory_space<vmem>>, vector<1x2000x128xf32>
    %get3A_8 = vector.shape_cast %get3A_7 : vector<1x2000x128xf32> to vector<2000x128xf32>
    %add3A = arith.addf %get3A_3, %get3A_8 : vector<2000x128xf32>
    %get3A_9 = arith.constant 0 : index
    %get3A_10 = arith.constant 0 : index
    %get3A_11 = arith.constant 0 : index
    %get3A_12 = vector.load %arg2[%get3A_9, %get3A_10, %get3A_11] : memref<2x2000x128xf32, #tpu.memory_space<vmem>>, vector<1x2000x128xf32>
    %get3A_13 = vector.shape_cast %get3A_12 : vector<1x2000x128xf32> to vector<2000x128xf32>
    %get3A_14 = arith.constant 0 : index
    %get3A_15 = arith.constant 0 : index
    %get3A_16 = arith.constant 0 : index
    %get3A_17 = vector.load %arg1[%get3A_14, %get3A_15, %get3A_16] : memref<2x2000x128xf32, #tpu.memory_space<vmem>>, vector<1x2000x128xf32>
    %get3A_18 = vector.shape_cast %get3A_17 : vector<1x2000x128xf32> to vector<2000x128xf32>
    %sub3A = arith.subf %get3A_13, %get3A_18 : vector<2000x128xf32>
    %get3A_19 = arith.constant 1 : index
    %get3A_20 = arith.constant 0 : index
    %get3A_21 = arith.constant 0 : index
    %get3A_22 = vector.load %arg2[%get3A_19, %get3A_20, %get3A_21] : memref<2x2000x128xf32, #tpu.memory_space<vmem>>, vector<1x2000x128xf32>
    %get3A_23 = vector.shape_cast %get3A_22 : vector<1x2000x128xf32> to vector<2000x128xf32>
    %get3A_24 = arith.constant 1 : index
    %get3A_25 = arith.constant 0 : index
    %get3A_26 = arith.constant 0 : index
    %get3A_27 = vector.load %arg1[%get3A_24, %get3A_25, %get3A_26] : memref<2x2000x128xf32, #tpu.memory_space<vmem>>, vector<1x2000x128xf32>
    %get3A_28 = vector.shape_cast %get3A_27 : vector<1x2000x128xf32> to vector<2000x128xf32>
    %sub3A_29 = arith.subf %get3A_23, %get3A_28 : vector<2000x128xf32>
    %add3A_30 = arith.addf %sub3A, %sub3A_29 : vector<2000x128xf32>
    %max3A = arith.constant 1.000000e+00 : f32
    %max3A_31 = vector.broadcast %max3A : f32 to vector<2000x128xf32>
    %max3A_32 = arith.maximumf %add3A_30, %max3A_31 : vector<2000x128xf32>
    %div3A = arith.divf %add3A, %max3A_32 : vector<2000x128xf32>
    %swap3A = arith.constant 0 : index
    %swap3A_33 = arith.constant 0 : index
    %swap3A_34 = vector.load %arg3[%swap3A, %swap3A_33] : memref<2000x128xf32, #tpu.memory_space<vmem>>, vector<2000x128xf32>
    tpu.vector_store %arg3[%swap3A, %swap3A_33], %div3A {strides = array<i32>} : memref<2000x128xf32, #tpu.memory_space<vmem>>, vector<2000x128xf32>,
    return
  }
  func.func @transform_0(%arg0: i32) -> (i32, i32, i32) {
    %c0_i32 = arith.constant 0 : i32
    %c0_i32_0 = arith.constant 0 : i32
    %c0_i32_1 = arith.constant 0 : i32
    return %c0_i32, %arg0, %c0_i32_0 : i32, i32, i32
  }
  func.func @transform_1(%arg0: i32) -> (i32, i32, i32) {
    %c0_i32 = arith.constant 0 : i32
    %c0_i32_0 = arith.constant 0 : i32
    %c0_i32_1 = arith.constant 0 : i32
    return %c0_i32, %arg0, %c0_i32_0 : i32, i32, i32
  }
  func.func @transform_2(%arg0: i32) -> (i32, i32) {
    %c0_i32 = arith.constant 0 : i32
    %c0_i32_0 = arith.constant 0 : i32
    return %arg0, %c0_i32 : i32, i32
  }
}

</mosaic_0001>

<sc_bundles>
// kernel: kernel.4.cloned.1.call-start
scs
__scs_entry_jumppad:
0x0: {  	(pc) =	sbr.rel $0x88, $3  }
0x1: {  	(tag) =	ssettag $0x0;
	lr =	simm.s32 $0x1  }
0x2: {  	[smem:$0x3F9E] =	sst lr;
	_ =	strace $0xD0000000  }
0x3: {  	_ = 	snop  }
0x4: {  	_ = 	snop  }
0x5: {  	_ = 	snop  }
0x6: {  	_ = 	snop  }
0x7: {  	_ = 	snop  }
__scs_overlays_trampoline_lowered:
0x8: {  	[smem:$0x3FAD] =	sst s0  }
0x9: {  	[smem:$0x3FAE] =	sst s1  }
0xa: {  	[smem:$0x3FAF] =	sst s2  }
0xb: {  	[smem:$0x3FB0] =	sst s3  }
0xc: {  	[smem:$0x3FB1] =	sst s4  }
0xd: {  	[smem:$0x3FB2] =	sst s5  }
0xe: {  	[smem:$0x3FB3] =	sst s6  }
0xf: {  	[smem:$0x3FB4] =	sst s7  }
0x10: {  	[smem:$0x3FB5] =	sst s8  }
0x11: {  	[smem:$0x3FB6] =	sst s9;
	s0 =	simm.s32 @!p0 $0x0  }
0x12: {  	s1 =	sld [smem:$0x3F9C];
	s0 =	simm.s32 @p0 $0x1  }
0x13: {  	[smem:$0x3FB7] =	sst s0;
	s0 =	simm.s32 @!p1 $0x0  }
0x14: {  	s2 =	sld [smem:$0x3F9B];
	s0 =	simm.s32 @p1 $0x1  }
0x15: {  	[smem:$0x3FB8] =	sst s0;
	s0 =	simm.s32 @!p2 $0x0  }
0x16: {  	s3 =	sld [smem:$0x3FDB];
	s0 =	simm.s32 @p2 $0x1  }
0x17: {  	s4 =	simm.s32 $0x1BF5;
	[smem:$0x3FBA] =	sst s0  }
0x18: {  	s0 =	sld [smem:$0x3F9D];
	_ =	swait.ge [sflag:s4], $0x0  }
0x19: {  	s7 =	sld [smem:$0x3F9E]  }
0x1a: {  	s8 =	sadd.s32 $0xFFFFE003, lr  }
0x1b: {  	s9 =	sadd.s32 $0xFFFFFEF7, lr;
	s5 =	simm.s32 $0xFFFFFFFF;
	p2 =	slt.u32 s8, $0xFFFFF086  }
0x1c: {  	p1 =	slt.u32 s9, $0xF7A;
	s5 =	simm.s32 @!p2 $0x0  }
0x1d: {  	s5 =	simm.s32 @p1 $0x1;
	p0 =	seq.s32 s7, s2  }
0x1e: {  	s7 =	smul.u32 @!p0 $0xF7A, s2;
	p2 =	seq.s32 @!p0 s5, $0x0  }
0x1f: {  	s9 =	smul.u32 $0xF7A, s1;
	s8 =	simm.s32 @!p0 $0x1BF5;
	p2 =	por !p2, p0  }
0x20: {  	[sflag:s8] =	ssyncset.s32 @!p0 $0xFFFFF086;
	s6 =	sadd.s32 @!p0 s3, s7;
	s7 =	simm.s32 @!p0 $0x108  }
0x21: {  	s3 =	sadd.s32 s3, s9;
	s6 =	sadd.s32 @!p0 $0x88, s6;
	s7 =	simm.s32 @p2 $0x1082  }
0x22: {  	[simem:s7], [sflag:s8] =	dma.local @!p0 [hbm:s6], $0xF7A  }
0x23: {  	s9 =	sor.u32 $0xD0000000, s2;
	s6 =	simm.s32 $0x108;
	_ =	swait.ge @!p0 [sflag:s8], $0x0  }
0x24: {  	s3 =	sadd.s32 $0x88, s3;
	s6 =	simm.s32 @!p1 $0x1082;
	[sflag:s4] =	ssyncset.s32 $0xFFFFF086  }
0x25: {  	[simem:s6], [sflag:s4] =	dma.local [hbm:s3], $0xF7A  }
0x26: {  	[smem:$0x3F9E] =	sst s1;
	(tag) =	ssettag s2;
	_ =	strace s9  }
0x27: {  	s1 =	sld [smem:$0x3FAE]  }
0x28: {  	s2 =	sld [smem:$0x3FAF]  }
0x29: {  	s4 =	sld [smem:$0x3FB1]  }
0x2a: {  	p0 =	seq.s32 s5, $0x0;
	s5 =	sld [smem:$0x3FB2]  }
0x2b: {  	s6 =	sld [smem:$0x3FB3]  }
0x2c: {  	s7 =	sld [smem:$0x3FB4]  }
0x2d: {  	s3 =	simm.s32 $0x108;
	s8 =	sld [smem:$0x3FB5]  }
0x2e: {  	s3 =	simm.s32 @!p0 $0x1082;
	s9 =	sld [smem:$0x3FB6]  }
0x2f: {  	lr =	sadd.s32 s0, s3;
	s0 =	sld [smem:$0x3FAD]  }
0x30: {  	s3 =	sld [smem:$0x3FB0]  }
0x31: {  	[smem:$0x3FB9] =	sst s10  }
0x32: {  	s10 =	sld [smem:$0x3FB7];
	_ =	sdelay $0x3  }
0x33: {  	p0 =	seq.s32 s10, $0x1;
	s10 =	sld [smem:$0x3FB9];
	_ =	sdelay $0x3  }
0x34: {  	[smem:$0x3FB9] =	sst s10  }
0x35: {  	s10 =	sld [smem:$0x3FB8];
	_ =	sdelay $0x3  }
0x36: {  	p1 =	seq.s32 s10, $0x1;
	s10 =	sld [smem:$0x3FB9];
	_ =	sdelay $0x3  }
0x37: {  	[smem:$0x3FB9] =	sst s10  }
0x38: {  	s10 =	sld [smem:$0x3FBA]  }
0x39: {  	_ = 	snop;
	(pc) =	sbr.ind lr, $3  }
0x3a: {  	_ = 	snop  }
0x3b: {  	_ = 	snop  }
0x3c: {  	p2 =	seq.s32 s10, $0x1;
	s10 =	sld [smem:$0x3FB9]  }
0x3d: {  	_ =	shalt  }
0x3e: {  	_ =	shalt  }
0x3f: {  	_ =	shalt  }
0x40: {  	_ =	shalt  }
0x41: {  	_ =	shalt  }
0x42: {  	_ =	shalt  }
0x43: {  	_ =	shalt  }
0x44: {  	_ =	shalt  }
0x45: {  	_ =	shalt  }
0x46: {  	_ =	shalt  }
0x47: {  	_ =	shalt  }
0x48: {  	_ =	shalt  }
0x49: {  	_ =	shalt  }
0x4a: {  	_ =	shalt  }
0x4b: {  	_ =	shalt  }
0x4c: {  	_ =	shalt  }
0x4d: {  	_ =	shalt  }
0x4e: {  	_ =	shalt  }
0x4f: {  	_ =	shalt  }
0x50: {  	_ =	shalt  }
0x51: {  	_ =	shalt  }
0x52: {  	_ =	shalt  }
0x53: {  	_ =	shalt  }
0x54: {  	_ =	shalt  }
0x55: {  	_ =	shalt  }
0x56: {  	_ =	shalt  }
0x57: {  	_ =	shalt  }
0x58: {  	_ =	shalt  }
0x59: {  	_ =	shalt  }
0x5a: {  	_ =	shalt  }
0x5b: {  	_ =	shalt  }
0x5c: {  	_ =	shalt  }
0x5d: {  	_ =	shalt  }
0x5e: {  	_ =	shalt  }
0x5f: {  	_ =	shalt  }
0x60: {  	_ =	shalt  }
0x61: {  	_ =	shalt  }
0x62: {  	_ =	shalt  }
0x63: {  	_ =	shalt  }
0x64: {  	_ =	shalt  }
0x65: {  	_ =	shalt  }
0x66: {  	_ =	shalt  }
0x67: {  	_ =	shalt  }
0x68: {  	_ =	shalt  }
0x69: {  	_ =	shalt  }
0x6a: {  	_ =	shalt  }
0x6b: {  	_ =	shalt  }
0x6c: {  	_ =	shalt  }
0x6d: {  	_ =	shalt  }
0x6e: {  	_ =	shalt  }
0x6f: {  	_ =	shalt  }
0x70: {  	_ =	shalt  }
0x71: {  	_ =	shalt  }
0x72: {  	_ =	shalt  }
0x73: {  	_ =	shalt  }
0x74: {  	_ =	shalt  }
0x75: {  	_ =	shalt  }
0x76: {  	_ =	shalt  }
0x77: {  	_ =	shalt  }
0x78: {  	_ =	shalt  }
0x79: {  	_ =	shalt  }
0x7a: {  	_ =	shalt  }
0x7b: {  	_ =	shalt  }
0x7c: {  	_ =	shalt  }
0x7d: {  	_ =	shalt  }
0x7e: {  	_ =	shalt  }
0x7f: {  	_ =	shalt  }
0x80: {  	_ =	shalt  }
0x81: {  	_ =	shalt  }
0x82: {  	_ =	shalt  }
0x83: {  	_ =	shalt  }
0x84: {  	_ =	shalt  }
0x85: {  	_ =	shalt  }
0x86: {  	_ =	shalt  }
0x87: {  	_ =	shalt  }
.Lfunc_end0:
.L_simem_size_0:
called_computation_lowered:
.L_overlay_start_0:
0x88: {  	s2 =	sld [smem:$0x3FD9]  }
0x89: {  	s3 =	sld [smem:$0x3FFE];
	_ =	sdelay $0x1  }
0x8a: {  	s1 =	srdreg.scid  }
0x8b: {  	s0 =	sand.u32 $0x1, s1  }
0x8c: {  	s17 =	sshll.u32 s0, $0xA;
	s2 =	sadd.s32 s3, s2  }
0x8d: {  	s2 =	sadd.s32 s2, s17  }
0x8e: {  	[smem:$0x3FC5] =	sst s2  }
0x8f: {  	_ = 	snop  }
0x90: {  	s2 =	sld [smem:$0x3FC9]  }
0x91: {  	s18 =	sld [smem:$0x3FC8]  }
0x92: {  	s4 =	sld [smem:$0x3FC7];
	(tm) =	ssettm $0x1  }
0x93: {  	s5 =	sld [smem:$0x3FFB];
	_ =	sdelay $0x3  }
0x94: {  	_ =	strace s5  }
0x95: {  	s5 =	sld [smem:$0x3FFC];
	_ =	sdelay $0x3  }
0x96: {  	_ =	strace s5  }
0x97: {  	s5 =	sld [smem:$0x3FFD];
	_ =	sdelay $0x3  }
0x98: {  	_ =	strace s5  }
0x99: {  	_ =	strace $0x8FFFFFFF  }
0x9a: {  	s19 =	sld [smem:$0x3FDB];
	_ =	sdelay $0x1  }
0x9b: {  	s6 =	simm.s32 $_scs_section_size  }
0x9c: {  	s7 =	simm.s32 $_size__tile_overlayer_lowered;
	s8 =	simm.s32 $_tile_overlayer_lowered  }
0x9d: {  	s22 =	simm.s32 $0x1BFF;
	s21 =	sshll.u32 s8, $0x1;
	s5 =	sadd.s32 s6, s19  }
0x9e: {  	s9 =	simm.s32 $0x0;
	s20 =	sshll.u32 s7, $0x1;
	s7 =	sadd.s32 s21, s5  }
0x9f: {  	[timem:s9], [sflag:s22] =	dma.local [hbm:s7], s20  }
0xa0: {  	_ =	swait.ge [sflag:s22], s20  }
0xa1: {  	s6 =	ssub.s32 $0x0, s20;
	[sflag:s22] =	ssyncset.done $0x0  }
0xa2: {  	[sflag:s22] =	ssyncadd.s32 s6;
	_ =	sdelay $0x1  }
0xa3: {  	s23 =	simm.s32 $0x1B8B  }
0xa4: {  	_ =	swait.ge [sflag:s23], $0x1  }
0xa5: {  	[sflag:s23] =	ssyncset.done $0x0  }
0xa6: {  	s25 =	simm.s32 $0x1B8E;
	s24 =	sld [smem:$0x3FFE];
	[sflag:s23] =	ssyncadd.s32 $0xFFFFFFFF  }
0xa7: {  	s26 =	simm.s32 $execute0_lowered;
	[smem:$0x3FD2] =	sst s25  }
0xa8: {  	s7 =	sshll.u32 s26, $0x1;
	_ =	strace $0x80000046;
	[dreg:$0x1] =	wrdreg $0xFFFFFFFF  }
0xa9: {  	s28 =	simm.s32 $_size_execute0_lowered;
	s5 =	sadd.s32 s5, s7;
	[dreg:$0x0] =	wrdreg $0x0  }
0xaa: {  	s7 =	sshll.u32 s28, $0x1;
	[dreg:$0x2] =	wrdreg s5  }
0xab: {  	[dreg:$0x3] =	wrdreg s7  }
0xac: {  	[dreg:$0x4] =	wrdreg $0xC0  }
0xad: {  	_ =	task [dreg:s9], $0x5FFFF  }
0xae: {  	[dreg:$0x1] =	wrdreg $0xFFFFFFFF  }
0xaf: {  	[dreg:$0x0] =	wrdreg $0x60  }
0xb0: {  	[dreg:$0x2] =	wrdreg s2  }
0xb1: {  	[dreg:$0x3] =	wrdreg s18  }
0xb2: {  	[dreg:$0x4] =	wrdreg s4  }
0xb3: {  	[dreg:$0x5] =	wrdreg s24  }
0xb4: {  	[dreg:$0x6] =	wrdreg $0x0  }
0xb5: {  	[dreg:$0x7] =	wrdreg $0x9  }
0xb6: {  	_ =	task.clear_ibuf [dreg:s9], $0x8FFFF;
	_ =	strace $0x90000046  }
0xb7: {  	s29 =	simm.s32 $0x9;
	_ =	strace $0x80000048  }
0xb8: {  	_ =	swait.ge [sflag:s29], $0x1  }
0xb9: {  	[sflag:s29] =	ssyncadd.s32 $0xFFFFFFFF  }
0xba: {  	_ =	strace $0x90000048  }
0xbb: {  	_ =	sfence  }
0xbc: {  	s30 =	sld [smem:$0x0];
	_ =	sdelay $0x2  }
0xbd: {  	s31 =	sshll.u32 s1, $0xD;
	s1 =	sshrl.u32 s1, $0x2  }
0xbe: {  	s3 =	sand.u32 $0x4000, s31;
	s1 =	sadd.s32 s1, s30  }
0xbf: {  	s0 =	sor.u32 s3, s0;
	s1 =	sshll.u32 s1, $0x11  }
0xc0: {  	s0 =	sor.u32 s1, s0  }
0xc1: {  	s0 =	sadd.s32 $0x8F2B, s0  }
0xc2: {  	[sflag:s0] =	ssyncadd.remote.s32 $0x1  }
0xc3: {  	_ =	sfence.sel $0xFFFF  }
0xc4: {  	[dreg:$0x0] =	wrdreg $0xFFFFFFFF;
	(pc) =	sbr.abs _section_cstart, $3  }
0xc5: {  	[dreg:$0x1] =	wrdreg $0xFFFFFFFF  }
0xc6: {  	_ =	task.clear_ibuf [dreg:s9], $0x2FFFF;
	_ =	strace $0x9FFFFFFF  }
0xc7: {  	(tm) =	ssettm $0x7FFFFFFF  }
tec
execute0_lowered:
.L_overlay_start_1:
0x0: {  	(tag) =	ssettag $0x1  }
0x1: {  	s1 =	rddreg [dreg:$0x0]  }
0x2: {  	s0 =	rddreg [dreg:$0x1]  }
0x3: {  	s3 =	rddreg [dreg:$0x2]  }
0x4: {  	s4 =	rddreg [dreg:$0x3]  }
0x5: {  	s2 =	rddreg [dreg:$0x4];
	s9 =	stileid.u32  }
0x6: {  	s5 =	srdreg.scid;
	s7 =	simm.s32 $0x0;
	s23 =	smul.u32 $0x13C00, s9  }
0x7: {  	s5 =	sand.u32 $0x1, s5;
	[smem:$0x7FF] =	sst s7;
	s25 =	smul.u32 $0x4E200, s9  }
0x8: {  	s6 =	smul.u32 $0x13C000, s5;
	s8 =	sshll.u32 s5, $0x4;
	s5 =	ssub.s32 $0x2, s5  }
0x9: {  	_ =	strace $0x80000047;
	s24 =	sor.u32 s9, s8;
	s26 =	sshrl.u32 s5, $0x1  }
0xa: {  	s6 =	sadd.s32 s23, s6;
	s7 =	smul.u32 $0x4E2, s24;
	s5 =	ssub.s32 s5, s26  }
0xb: {  	s8 =	sshrl.u32 s25, $0x2;
	s6 =	sshrl.u32 s6, $0x3;
	s25 =	smax.u32 s5, $0x1  }
0xc: {  	s4 =	sadd.s32 s6, s4;
	s0 =	sadd.s32 s0, s7;
	[dreg:$0x19] =	wrdreg s25  }
0xd: {  	s6 =	sadd.s32 s8, s2;
	s7 =	sadd.s32 s3, s7;
	[dreg:$0x6] =	wrdreg s0  }
0xe: {  	[dreg:$0x7] =	wrdreg s7;
	s8 =	sadd.s32 $0xC80, s6  }
0xf: {  	s9 =	sadd.s32 $0x1900, s6;
	[dreg:$0x8] =	wrdreg s8  }
0x10: {  	s10 =	sadd.s32 $0x2580, s6;
	[dreg:$0x9] =	wrdreg s9  }
0x11: {  	s11 =	sadd.s32 $0x3200, s6;
	[dreg:$0xa] =	wrdreg s10  }
0x12: {  	s12 =	sadd.s32 $0x3E80, s6;
	[dreg:$0xb] =	wrdreg s11  }
0x13: {  	s13 =	sadd.s32 $0x4B00, s6;
	[dreg:$0xc] =	wrdreg s12  }
0x14: {  	s14 =	sadd.s32 $0x5780, s6;
	[dreg:$0xd] =	wrdreg s13  }
0x15: {  	s15 =	sadd.s32 $0x6400, s6;
	[dreg:$0xe] =	wrdreg s14  }
0x16: {  	s16 =	sadd.s32 $0x7080, s6;
	[dreg:$0xf] =	wrdreg s15  }
0x17: {  	s17 =	sadd.s32 $0x7D00, s6;
	[dreg:$0x10] =	wrdreg s16  }
0x18: {  	s18 =	sadd.s32 $0x8980, s6;
	[dreg:$0x11] =	wrdreg s17  }
0x19: {  	s19 =	sadd.s32 $0x9600, s6;
	s20 =	sadd.s32 $0xA280, s6;
	[dreg:$0x12] =	wrdreg s18  }
0x1a: {  	s21 =	sadd.s32 $0xAF00, s6;
	s22 =	sadd.s32 $0xBB80, s6;
	[dreg:$0x13] =	wrdreg s19  }
0x1b: {  	s23 =	sadd.s32 $0xA00, s4;
	s24 =	sadd.s32 $0x4FA00, s4;
	[dreg:$0x14] =	wrdreg s20  }
0x1c: {  	s26 =	sadd.s32 $0xC800, s6;
	s28 =	sadd.s32 $0xD480, s6;
	[dreg:$0x15] =	wrdreg s21  }
0x1d: {  	s29 =	sadd.s32 $0xE100, s6;
	s30 =	sadd.s32 $0xED80, s6;
	[dreg:$0x16] =	wrdreg s22  }
0x1e: {  	s31 =	sadd.s32 $0xFA00, s6;
	s0 =	sadd.s32 $0x10680, s6;
	[dreg:$0x17] =	wrdreg s23  }
0x1f: {  	s3 =	sadd.s32 $0x11300, s6;
	s4 =	sadd.s32 $0x11F80, s6;
	[dreg:$0x18] =	wrdreg s24  }
0x20: {  	s5 =	sadd.s32 $0x12C00, s6;
	s7 =	simm.s32 $0x13880;
	[dreg:$0x1a] =	wrdreg s26  }
0x21: {  	s8 =	simm.s32 $0x6;
	s9 =	simm.s32 $0x16000;
	s10 =	simm.s32 $0x1D780  }
0x22: {  	s11 =	simm.s32 $0x5;
	s12 =	simm.s32 $0x50;
	s13 =	simm.s32 $0x18780  }
0x23: {  	s14 =	simm.s32 $0x1AF80;
	s15 =	simm.s32 $0x1;
	s16 =	simm.s32 $0x2  }
0x24: {  	v0 =	vimm.f32 $0.0e+00;
	v1 =	vimm.f32 $1.000000000e+00;
	s17 =	simm.s32 $0x3;
	s18 =	simm.s32 $0x4;
	s19 =	simm.s32 $0x0  }
.LBB2_1:
0x25: {  	s20 =	simm.s32 $0x0;
	s21 =	rddreg [dreg:$0x6]  }
0x26: {  	[tilespmem:s7], [sflag:$0x6] =	stream.linear.gather [hbm4b:s21+s20], $0x2710, $0x38;
	[tilespmem:$0x1E780] =	vst v63  }
0x27: {  	_ =	swait.ge [sflag:s8], $0x2710  }
0x28: {  	[sflag:s8] =	ssyncset.done $0x0  }
0x29: {  	s26 =	rddreg [dreg:$0x7];
	[sflag:s8] =	ssyncadd.s32 $0xFFFFD8F0  }
0x2a: {  	[tilespmem:s9], [sflag:$0x6] =	stream.linear.gather [hbm4b:s26+s20], $0x2710, $0x38;
	[tilespmem:$0x1E780] =	vst v63  }
0x2b: {  	_ =	swait.ge [sflag:s8], $0x2710  }
0x2c: {  	[sflag:s8] =	ssyncset.done $0x0  }
0x2d: {  	s21 =	simm.s32 $0x200;
	s20 =	simm.s32 $0x0;
	[sflag:s8] =	ssyncadd.s32 $0xFFFFD8F0  }
.LBB2_2:
0x2e: {  	p0 =	sne.s32 s21, $0x3000;
	[tilespmem:s20+$0x1D7F0] =	vst v0  }
0x2f: {  	[tilespmem:s20+$0x1D780] =	vst v0  }
0x30: {  	[tilespmem:s20+$0x1D790] =	vst v0  }
.Ltmp0:
0x31: {  	[tilespmem:s20+$0x1D7A0] =	vst v0;
	(pc) =	sbr.rel @p0 .LBB2_2-.Ltmp0, $4  }
0x32: {  	[tilespmem:s20+$0x1D7B0] =	vst v0  }
0x33: {  	[tilespmem:s20+$0x1D7C0] =	vst v0  }
0x34: {  	[tilespmem:s20+$0x1D7D0] =	vst v0  }
0x35: {  	[tilespmem:s20+$0x1D7E0] =	vst v0;
	s20 =	sshra.s32 s21, $0x2;
	s21 =	sadd.s32 $0x200, s21  }
0x36: {  	[tilespmem:s20+$0x1D7F0] =	vst v0  }
0x37: {  	[tilespmem:s20+$0x1D780] =	vst v0  }
0x38: {  	[tilespmem:s20+$0x1D790] =	vst v0  }
0x39: {  	[tilespmem:s20+$0x1D7A0] =	vst v0  }
0x3a: {  	[tilespmem:s20+$0x1D7B0] =	vst v0  }
0x3b: {  	[tilespmem:s20+$0x1D7C0] =	vst v0  }
0x3c: {  	[tilespmem:s20+$0x1D7D0] =	vst v0  }
0x3d: {  	[tilespmem:s20+$0x1D7E0] =	vst v0  }
0x3e: {  	[spmem:s6] =	stream.linear.scatter [tilespmem:s10], [sflag:$0x5], $0xC80, $0x38;
	[tilespmem:$0x1E780] =	vst v63  }
0x3f: {  	s25 =	rddreg [dreg:$0x8]  }
0x40: {  	[spmem:s25] =	stream.linear.scatter [tilespmem:s10], [sflag:$0x5], $0xC80, $0x38;
	[tilespmem:$0x1E780] =	vst v63  }
0x41: {  	s26 =	rddreg [dreg:$0x9]  }
0x42: {  	[spmem:s26] =	stream.linear.scatter [tilespmem:s10], [sflag:$0x5], $0xC80, $0x38;
	[tilespmem:$0x1E780] =	vst v63  }
0x43: {  	s21 =	rddreg [dreg:$0xa]  }
0x44: {  	[spmem:s21] =	stream.linear.scatter [tilespmem:s10], [sflag:$0x5], $0xC80, $0x38;
	[tilespmem:$0x1E780] =	vst v63  }
0x45: {  	s22 =	rddreg [dreg:$0xb]  }
0x46: {  	[spmem:s22] =	stream.linear.scatter [tilespmem:s10], [sflag:$0x5], $0xC80, $0x38;
	[tilespmem:$0x1E780] =	vst v63  }
0x47: {  	s23 =	rddreg [dreg:$0xc]  }
0x48: {  	[spmem:s23] =	stream.linear.scatter [tilespmem:s10], [sflag:$0x5], $0xC80, $0x38;
	[tilespmem:$0x1E780] =	vst v63  }
0x49: {  	s24 =	rddreg [dreg:$0xd]  }
0x4a: {  	[spmem:s24] =	stream.linear.scatter [tilespmem:s10], [sflag:$0x5], $0xC80, $0x38;
	[tilespmem:$0x1E780] =	vst v63  }
0x4b: {  	s25 =	rddreg [dreg:$0xe]  }
0x4c: {  	[spmem:s25] =	stream.linear.scatter [tilespmem:s10], [sflag:$0x5], $0xC80, $0x38;
	[tilespmem:$0x1E780] =	vst v63  }
0x4d: {  	s26 =	rddreg [dreg:$0xf]  }
0x4e: {  	[spmem:s26] =	stream.linear.scatter [tilespmem:s10], [sflag:$0x5], $0xC80, $0x38;
	[tilespmem:$0x1E780] =	vst v63  }
0x4f: {  	s21 =	rddreg [dreg:$0x10]  }
0x50: {  	[spmem:s21] =	stream.linear.scatter [tilespmem:s10], [sflag:$0x5], $0xC80, $0x38;
	[tilespmem:$0x1E780] =	vst v63  }
0x51: {  	s22 =	rddreg [dreg:$0x11]  }
0x52: {  	[spmem:s22] =	stream.linear.scatter [tilespmem:s10], [sflag:$0x5], $0xC80, $0x38;
	[tilespmem:$0x1E780] =	vst v63  }
0x53: {  	s23 =	rddreg [dreg:$0x12]  }
0x54: {  	[spmem:s23] =	stream.linear.scatter [tilespmem:s10], [sflag:$0x5], $0xC80, $0x38;
	[tilespmem:$0x1E780] =	vst v63  }
0x55: {  	s24 =	rddreg [dreg:$0x13]  }
0x56: {  	[spmem:s24] =	stream.linear.scatter [tilespmem:s10], [sflag:$0x5], $0xC80, $0x38;
	[tilespmem:$0x1E780] =	vst v63  }
0x57: {  	s25 =	rddreg [dreg:$0x14]  }
0x58: {  	[spmem:s25] =	stream.linear.scatter [tilespmem:s10], [sflag:$0x5], $0xC80, $0x38;
	[tilespmem:$0x1E780] =	vst v63  }
0x59: {  	s26 =	rddreg [dreg:$0x15]  }
0x5a: {  	[spmem:s26] =	stream.linear.scatter [tilespmem:s10], [sflag:$0x5], $0xC80, $0x38;
	[tilespmem:$0x1E780] =	vst v63  }
0x5b: {  	s21 =	rddreg [dreg:$0x16]  }
0x5c: {  	[spmem:s21] =	stream.linear.scatter [tilespmem:s10], [sflag:$0x5], $0xC80, $0x38;
	[tilespmem:$0x1E780] =	vst v63  }
0x5d: {  	s22 =	rddreg [dreg:$0x1a]  }
0x5e: {  	[spmem:s22] =	stream.linear.scatter [tilespmem:s10], [sflag:$0x5], $0xC80, $0x38;
	[tilespmem:$0x1E780] =	vst v63  }
0x5f: {  	_ = 	snop  }
0x60: {  	[spmem:s28] =	stream.linear.scatter [tilespmem:s10], [sflag:$0x5], $0xC80, $0x38;
	[tilespmem:$0x1E780] =	vst v63  }
0x61: {  	_ = 	snop  }
0x62: {  	[spmem:s29] =	stream.linear.scatter [tilespmem:s10], [sflag:$0x5], $0xC80, $0x38;
	[tilespmem:$0x1E780] =	vst v63  }
0x63: {  	_ = 	snop  }
0x64: {  	[spmem:s30] =	stream.linear.scatter [tilespmem:s10], [sflag:$0x5], $0xC80, $0x38;
	[tilespmem:$0x1E780] =	vst v63  }
0x65: {  	_ = 	snop  }
0x66: {  	[spmem:s31] =	stream.linear.scatter [tilespmem:s10], [sflag:$0x5], $0xC80, $0x38;
	[tilespmem:$0x1E780] =	vst v63  }
0x67: {  	_ = 	snop  }
0x68: {  	[spmem:s0] =	stream.linear.scatter [tilespmem:s10], [sflag:$0x5], $0xC80, $0x38;
	[tilespmem:$0x1E780] =	vst v63  }
0x69: {  	_ = 	snop  }
0x6a: {  	[spmem:s3] =	stream.linear.scatter [tilespmem:s10], [sflag:$0x5], $0xC80, $0x38;
	[tilespmem:$0x1E780] =	vst v63  }
0x6b: {  	_ = 	snop  }
0x6c: {  	[spmem:s4] =	stream.linear.scatter [tilespmem:s10], [sflag:$0x5], $0xC80, $0x38;
	[tilespmem:$0x1E780] =	vst v63  }
0x6d: {  	_ = 	snop  }
0x6e: {  	[spmem:s5] =	stream.linear.scatter [tilespmem:s10], [sflag:$0x5], $0xC80, $0x38;
	[tilespmem:$0x1E780] =	vst v63  }
0x6f: {  	_ =	swait.ge [sflag:s11], $0xC80  }
0x70: {  	[sflag:s11] =	ssyncset.done $0x0  }
0x71: {  	[sflag:s11] =	ssyncadd.s32 $0xFFFFF380  }
0x72: {  	_ =	swait.ge [sflag:s11], $0xC80  }
0x73: {  	[sflag:s11] =	ssyncset.done $0x0  }
0x74: {  	[sflag:s11] =	ssyncadd.s32 $0xFFFFF380  }
0x75: {  	_ =	swait.ge [sflag:s11], $0xC80  }
0x76: {  	[sflag:s11] =	ssyncset.done $0x0  }
0x77: {  	[sflag:s11] =	ssyncadd.s32 $0xFFFFF380  }
0x78: {  	_ =	swait.ge [sflag:s11], $0xC80  }
0x79: {  	[sflag:s11] =	ssyncset.done $0x0  }
0x7a: {  	[sflag:s11] =	ssyncadd.s32 $0xFFFFF380  }
0x7b: {  	_ =	swait.ge [sflag:s11], $0xC80  }
0x7c: {  	[sflag:s11] =	ssyncset.done $0x0  }
0x7d: {  	[sflag:s11] =	ssyncadd.s32 $0xFFFFF380  }
0x7e: {  	_ =	swait.ge [sflag:s11], $0xC80  }
0x7f: {  	[sflag:s11] =	ssyncset.done $0x0  }
0x80: {  	[sflag:s11] =	ssyncadd.s32 $0xFFFFF380  }
0x81: {  	_ =	swait.ge [sflag:s11], $0xC80  }
0x82: {  	[sflag:s11] =	ssyncset.done $0x0  }
0x83: {  	[sflag:s11] =	ssyncadd.s32 $0xFFFFF380  }
0x84: {  	_ =	swait.ge [sflag:s11], $0xC80  }
0x85: {  	[sflag:s11] =	ssyncset.done $0x0  }
0x86: {  	[sflag:s11] =	ssyncadd.s32 $0xFFFFF380  }
0x87: {  	_ =	swait.ge [sflag:s11], $0xC80  }
0x88: {  	[sflag:s11] =	ssyncset.done $0x0  }
0x89: {  	[sflag:s11] =	ssyncadd.s32 $0xFFFFF380  }
0x8a: {  	_ =	swait.ge [sflag:s11], $0xC80  }
0x8b: {  	[sflag:s11] =	ssyncset.done $0x0  }
0x8c: {  	[sflag:s11] =	ssyncadd.s32 $0xFFFFF380  }
0x8d: {  	_ =	swait.ge [sflag:s11], $0xC80  }
0x8e: {  	[sflag:s11] =	ssyncset.done $0x0  }
0x8f: {  	[sflag:s11] =	ssyncadd.s32 $0xFFFFF380  }
0x90: {  	_ =	swait.ge [sflag:s11], $0xC80  }
0x91: {  	[sflag:s11] =	ssyncset.done $0x0  }
0x92: {  	[sflag:s11] =	ssyncadd.s32 $0xFFFFF380  }
0x93: {  	_ =	swait.ge [sflag:s11], $0xC80  }
0x94: {  	[sflag:s11] =	ssyncset.done $0x0  }
0x95: {  	[sflag:s11] =	ssyncadd.s32 $0xFFFFF380  }
0x96: {  	_ =	swait.ge [sflag:s11], $0xC80  }
0x97: {  	[sflag:s11] =	ssyncset.done $0x0  }
0x98: {  	[sflag:s11] =	ssyncadd.s32 $0xFFFFF380  }
0x99: {  	_ =	swait.ge [sflag:s11], $0xC80  }
0x9a: {  	[sflag:s11] =	ssyncset.done $0x0  }
0x9b: {  	[sflag:s11] =	ssyncadd.s32 $0xFFFFF380  }
0x9c: {  	_ =	swait.ge [sflag:s11], $0xC80  }
0x9d: {  	[sflag:s11] =	ssyncset.done $0x0  }
0x9e: {  	[sflag:s11] =	ssyncadd.s32 $0xFFFFF380  }
0x9f: {  	_ =	swait.ge [sflag:s11], $0xC80  }
0xa0: {  	[sflag:s11] =	ssyncset.done $0x0  }
0xa1: {  	[sflag:s11] =	ssyncadd.s32 $0xFFFFF380  }
0xa2: {  	_ =	swait.ge [sflag:s11], $0xC80  }
0xa3: {  	[sflag:s11] =	ssyncset.done $0x0  }
0xa4: {  	[sflag:s11] =	ssyncadd.s32 $0xFFFFF380  }
0xa5: {  	_ =	swait.ge [sflag:s11], $0xC80  }
0xa6: {  	[sflag:s11] =	ssyncset.done $0x0  }
0xa7: {  	[sflag:s11] =	ssyncadd.s32 $0xFFFFF380  }
0xa8: {  	_ =	swait.ge [sflag:s11], $0xC80  }
0xa9: {  	[sflag:s11] =	ssyncset.done $0x0  }
0xaa: {  	[sflag:s11] =	ssyncadd.s32 $0xFFFFF380  }
0xab: {  	_ =	swait.ge [sflag:s11], $0xC80  }
0xac: {  	[sflag:s11] =	ssyncset.done $0x0  }
0xad: {  	[sflag:s11] =	ssyncadd.s32 $0xFFFFF380  }
0xae: {  	_ =	swait.ge [sflag:s11], $0xC80  }
0xaf: {  	[sflag:s11] =	ssyncset.done $0x0  }
0xb0: {  	[sflag:s11] =	ssyncadd.s32 $0xFFFFF380  }
0xb1: {  	_ =	swait.ge [sflag:s11], $0xC80  }
0xb2: {  	[sflag:s11] =	ssyncset.done $0x0  }
0xb3: {  	[sflag:s11] =	ssyncadd.s32 $0xFFFFF380  }
0xb4: {  	_ =	swait.ge [sflag:s11], $0xC80  }
0xb5: {  	[sflag:s11] =	ssyncset.done $0x0  }
0xb6: {  	[sflag:s11] =	ssyncadd.s32 $0xFFFFF380  }
0xb7: {  	_ =	swait.ge [sflag:s11], $0xC80  }
0xb8: {  	[sflag:s11] =	ssyncset.done $0x0  }
0xb9: {  	[sflag:s11] =	ssyncadd.s32 $0xFFFFF380  }
0xba: {  	[bflag:$0x0] =	sbarrier.arrive $0xFFFF  }
0xbb: {  	[tilespmem:s13], [sflag:$0x1] =	stream.indirect.gather [hbm4b:s1+s12], $0x80, s7, s12, $0xb8;
	[tilespmem:$0x1E780] =	vst v63  }
0xbc: {  	s23 =	simm.s32 $0x138D0  }
0xbd: {  	[tilespmem:s14], [sflag:$0x2] =	stream.indirect.gather [hbm4b:s1+s12], $0x80, s23, s12, $0xb8;
	[tilespmem:$0x1E780] =	vst v63  }
0xbe: {  	_ =	swait.ge [sflag:s15], $0x2800  }
0xbf: {  	[sflag:s15] =	ssyncset.done $0x0  }
0xc0: {  	s24 =	simm.s32 $0x16000;
	[sflag:s15] =	ssyncadd.s32 $0xFFFFD800  }
0xc1: {  	[spmem:s2] =	stream.indirect.scatter.add.f32 [tilespmem:s13], [sflag:$0x6], $0x80, s24, s12, $0xb8;
	[tilespmem:$0x1E780] =	vst v63  }
0xc2: {  	_ =	swait.ge [sflag:s8], $0x2800  }
0xc3: {  	[sflag:s8] =	ssyncset.done $0x0  }
0xc4: {  	s25 =	simm.s32 $0x13920;
	[sflag:s8] =	ssyncadd.s32 $0xFFFFD800  }
0xc5: {  	[tilespmem:s13], [sflag:$0x1] =	stream.indirect.gather [hbm4b:s1+s12], $0x80, s25, s12, $0xb8;
	[tilespmem:$0x1E780] =	vst v63  }
0xc6: {  	_ =	swait.ge [sflag:s16], $0x2800  }
0xc7: {  	[sflag:s16] =	ssyncset.done $0x0  }
0xc8: {  	s26 =	simm.s32 $0x16050;
	[sflag:s16] =	ssyncadd.s32 $0xFFFFD800  }
0xc9: {  	[spmem:s2] =	stream.indirect.scatter.add.f32 [tilespmem:s14], [sflag:$0x6], $0x80, s26, s12, $0xb8;
	[tilespmem:$0x1E780] =	vst v63  }
0xca: {  	_ =	swait.ge [sflag:s8], $0x2800  }
0xcb: {  	s20 =	simm.s32 $0xA0;
	s21 =	simm.s32 $0x500;
	[sflag:s8] =	ssyncset.done $0x0  }
.LBB2_4:
0xcc: {  	s22 =	sadd.s32 $0x138D0, s20  }
0xcd: {  	[sflag:s8] =	ssyncadd.s32 $0xFFFFD800;
	s23 =	smov.u32 s21;
	s24 =	sadd.s32 $0x280, s21  }
0xce: {  	[tilespmem:s14], [sflag:$0x2] =	stream.indirect.gather [hbm4b:s1+s12], $0x80, s22, s12, $0xb8;
	[tilespmem:$0x1E780] =	vst v63  }
0xcf: {  	p0 =	sne.s32 s21, $0x9880;
	_ =	swait.ge [sflag:s15], $0x2800  }
0xd0: {  	[sflag:s15] =	ssyncset.done $0x0  }
0xd1: {  	s21 =	sadd.s32 $0x16000, s20;
	[sflag:s15] =	ssyncadd.s32 $0xFFFFD800  }
0xd2: {  	[spmem:s2] =	stream.indirect.scatter.add.f32 [tilespmem:s13], [sflag:$0x6], $0x80, s21, s12, $0xb8;
	[tilespmem:$0x1E780] =	vst v63  }
0xd3: {  	_ =	swait.ge [sflag:s8], $0x2800  }
0xd4: {  	[sflag:s8] =	ssyncset.done $0x0  }
0xd5: {  	s21 =	sadd.s32 $0x13920, s20;
	[sflag:s8] =	ssyncadd.s32 $0xFFFFD800  }
0xd6: {  	[tilespmem:s13], [sflag:$0x1] =	stream.indirect.gather [hbm4b:s1+s12], $0x80, s21, s12, $0xb8;
	[tilespmem:$0x1E780] =	vst v63  }
0xd7: {  	_ =	swait.ge [sflag:s16], $0x2800  }
.Ltmp1:
0xd8: {  	[sflag:s16] =	ssyncset.done $0x0;
	(pc) =	sbr.rel @p0 .LBB2_4-.Ltmp1, $4  }
0xd9: {  	s20 =	sadd.s32 $0x16050, s20;
	[sflag:s16] =	ssyncadd.s32 $0xFFFFD800  }
0xda: {  	[spmem:s2] =	stream.indirect.scatter.add.f32 [tilespmem:s14], [sflag:$0x6], $0x80, s20, s12, $0xb8;
	[tilespmem:$0x1E780] =	vst v63  }
0xdb: {  	_ =	swait.ge [sflag:s8], $0x2800  }
0xdc: {  	s21 =	smov.u32 s24;
	s20 =	sshra.s32 s23, $0x2;
	[sflag:s8] =	ssyncset.done $0x0  }
0xdd: {  	s21 =	sadd.s32 $0x138D0, s20;
	[sflag:s8] =	ssyncadd.s32 $0xFFFFD800  }
0xde: {  	[tilespmem:s14], [sflag:$0x2] =	stream.indirect.gather [hbm4b:s1+s12], $0x80, s21, s12, $0xb8;
	[tilespmem:$0x1E780] =	vst v63  }
0xdf: {  	_ =	swait.ge [sflag:s15], $0x2800  }
0xe0: {  	[sflag:s15] =	ssyncset.done $0x0  }
0xe1: {  	s22 =	sadd.s32 $0x16000, s20;
	[sflag:s15] =	ssyncadd.s32 $0xFFFFD800  }
0xe2: {  	[spmem:s2] =	stream.indirect.scatter.add.f32 [tilespmem:s13], [sflag:$0x6], $0x80, s22, s12, $0xb8;
	[tilespmem:$0x1E780] =	vst v63  }
0xe3: {  	_ =	swait.ge [sflag:s8], $0x2800  }
0xe4: {  	[sflag:s8] =	ssyncset.done $0x0  }
0xe5: {  	s23 =	sadd.s32 $0x13920, s20;
	[sflag:s8] =	ssyncadd.s32 $0xFFFFD800  }
0xe6: {  	[tilespmem:s13], [sflag:$0x1] =	stream.indirect.gather [hbm4b:s1+s12], $0x80, s23, s12, $0xb8;
	[tilespmem:$0x1E780] =	vst v63  }
0xe7: {  	_ =	swait.ge [sflag:s16], $0x2800  }
0xe8: {  	[sflag:s16] =	ssyncset.done $0x0  }
0xe9: {  	s24 =	sadd.s32 $0x16050, s20;
	[sflag:s16] =	ssyncadd.s32 $0xFFFFD800  }
0xea: {  	[spmem:s2] =	stream.indirect.scatter.add.f32 [tilespmem:s14], [sflag:$0x6], $0x80, s24, s12, $0xb8;
	[tilespmem:$0x1E780] =	vst v63  }
0xeb: {  	_ =	swait.ge [sflag:s8], $0x2800  }
0xec: {  	[sflag:s8] =	ssyncset.done $0x0  }
0xed: {  	[sflag:s8] =	ssyncadd.s32 $0xFFFFD800  }
0xee: {  	_ =	swait.ge [sflag:s15], $0x2800  }
0xef: {  	[sflag:s15] =	ssyncset.done $0x0  }
0xf0: {  	s25 =	simm.s32 $0x186C0;
	[sflag:s15] =	ssyncadd.s32 $0xFFFFD800  }
0xf1: {  	[spmem:s2] =	stream.indirect.scatter.add.f32 [tilespmem:s13], [sflag:$0x6], $0x80, s25, s12, $0xb8;
	[tilespmem:$0x1E780] =	vst v63  }
0xf2: {  	_ =	swait.ge [sflag:s8], $0x2800  }
0xf3: {  	[sflag:s8] =	ssyncset.done $0x0  }
0xf4: {  	s26 =	stileid.u32;
	[sflag:s8] =	ssyncadd.s32 $0xFFFFD800  }
0xf5: {  	s20 =	sshll.u32 s26, $0x6;
	[bflag:$0x0] =	sbarrier.arrive $0xFFFF  }
0xf6: {  	s21 =	sshrl.u32 s6, $0x3;
	s20 =	sor.u32 $0x1C06, s20;
	s22 =	rddreg [dreg:$0x17]  }
0xf7: {  	[hbm:s22], [sflag:s20] =	dma.local [spmem:s21], $0x2710  }
0xf8: {  	_ =	swait.ge [sflag:s8], $0x2710  }
0xf9: {  	[sflag:s8] =	ssyncset.done $0x0  }
0xfa: {  	[sflag:s8] =	ssyncadd.s32 $0xFFFFD8F0  }
0xfb: {  	s23 =	simm.s32 $0x200;
	s22 =	simm.s32 $0x0;
	[bflag:$0x0] =	sbarrier.arrive $0xFFFF  }
.LBB2_6:
0xfc: {  	p0 =	sne.s32 s23, $0x9E00;
	[tilespmem:s22+$0x187F0] =	vst v1  }
0xfd: {  	[tilespmem:s22+$0x18780] =	vst v1  }
0xfe: {  	[tilespmem:s22+$0x18790] =	vst v1  }
.Ltmp2:
0xff: {  	[tilespmem:s22+$0x187A0] =	vst v1;
	(pc) =	sbr.rel @p0 .LBB2_6-.Ltmp2, $4  }
0x100: {  	[tilespmem:s22+$0x187B0] =	vst v1  }
0x101: {  	[tilespmem:s22+$0x187C0] =	vst v1  }
0x102: {  	[tilespmem:s22+$0x187D0] =	vst v1  }
0x103: {  	[tilespmem:s22+$0x187E0] =	vst v1;
	s22 =	sshra.s32 s23, $0x2;
	s23 =	sadd.s32 $0x200, s23  }
0x104: {  	[tilespmem:s22+$0x187F0] =	vst v1  }
0x105: {  	[tilespmem:s22+$0x18780] =	vst v1  }
0x106: {  	[tilespmem:s22+$0x18790] =	vst v1  }
0x107: {  	[tilespmem:s22+$0x187A0] =	vst v1  }
0x108: {  	[tilespmem:s22+$0x187B0] =	vst v1  }
0x109: {  	[tilespmem:s22+$0x187C0] =	vst v1  }
0x10a: {  	[tilespmem:s22+$0x187D0] =	vst v1  }
0x10b: {  	[tilespmem:s22+$0x187E0] =	vst v1  }
0x10c: {  	[spmem:s2] =	stream.indirect.scatter.add.f32 [tilespmem:s13], [sflag:$0x3], $0x80, s9, s12, $0xb8;
	[tilespmem:$0x1E780] =	vst v63  }
0x10d: {  	s25 =	simm.s32 $0x16050  }
0x10e: {  	[spmem:s2] =	stream.indirect.scatter.add.f32 [tilespmem:s13], [sflag:$0x4], $0x80, s25, s12, $0xb8;
	[tilespmem:$0x1E780] =	vst v63  }
0x10f: {  	_ =	swait.ge [sflag:s17], $0x2800  }
0x110: {  	[sflag:s17] =	ssyncset.done $0x0  }
0x111: {  	s26 =	simm.s32 $0x160A0;
	[sflag:s17] =	ssyncadd.s32 $0xFFFFD800  }
0x112: {  	[spmem:s2] =	stream.indirect.scatter.add.f32 [tilespmem:s13], [sflag:$0x3], $0x80, s26, s12, $0xb8;
	[tilespmem:$0x1E780] =	vst v63  }
0x113: {  	_ =	swait.ge [sflag:s18], $0x2800  }
0x114: {  	s23 =	simm.s32 $0xFFFF6A00;
	s22 =	simm.s32 $0xFFFFD9E0;
	[sflag:s18] =	ssyncset.done $0x0  }
.LBB2_8:
0x115: {  	s24 =	sadd.s32 $0x18710, s22  }
0x116: {  	[sflag:s18] =	ssyncadd.s32 $0xFFFFD800;
	s25 =	smov.u32 s23;
	s26 =	sadd.s32 $0x280, s23  }
0x117: {  	[spmem:s2] =	stream.indirect.scatter.add.f32 [tilespmem:s13], [sflag:$0x4], $0x80, s24, s12, $0xb8;
	[tilespmem:$0x1E780] =	vst v63  }
0x118: {  	p0 =	sne.s32 s23, $0xFFFFFD80;
	_ =	swait.ge [sflag:s17], $0x2800  }
.Ltmp3:
0x119: {  	[sflag:s17] =	ssyncset.done $0x0;
	(pc) =	sbr.rel @p0 .LBB2_8-.Ltmp3, $4  }
0x11a: {  	s22 =	sadd.s32 $0x18760, s22;
	[sflag:s17] =	ssyncadd.s32 $0xFFFFD800  }
0x11b: {  	[spmem:s2] =	stream.indirect.scatter.add.f32 [tilespmem:s13], [sflag:$0x3], $0x80, s22, s12, $0xb8;
	[tilespmem:$0x1E780] =	vst v63  }
0x11c: {  	_ =	swait.ge [sflag:s18], $0x2800  }
0x11d: {  	s23 =	smov.u32 s26;
	s22 =	sshra.s32 s25, $0x2;
	[sflag:s18] =	ssyncset.done $0x0  }
0x11e: {  	s23 =	sadd.s32 $0x18710, s22;
	[sflag:s18] =	ssyncadd.s32 $0xFFFFD800  }
0x11f: {  	[spmem:s2] =	stream.indirect.scatter.add.f32 [tilespmem:s13], [sflag:$0x4], $0x80, s23, s12, $0xb8;
	[tilespmem:$0x1E780] =	vst v63  }
0x120: {  	_ =	swait.ge [sflag:s17], $0x2800  }
0x121: {  	[sflag:s17] =	ssyncset.done $0x0  }
0x122: {  	s24 =	sadd.s32 $0x18760, s22;
	[sflag:s17] =	ssyncadd.s32 $0xFFFFD800  }
0x123: {  	[spmem:s2] =	stream.indirect.scatter.add.f32 [tilespmem:s13], [sflag:$0x3], $0x80, s24, s12, $0xb8;
	[tilespmem:$0x1E780] =	vst v63  }
0x124: {  	_ =	swait.ge [sflag:s18], $0x2800  }
0x125: {  	[sflag:s18] =	ssyncset.done $0x0  }
0x126: {  	[sflag:s18] =	ssyncadd.s32 $0xFFFFD800  }
0x127: {  	_ =	swait.ge [sflag:s17], $0x2800  }
0x128: {  	[sflag:s17] =	ssyncset.done $0x0  }
0x129: {  	[sflag:s17] =	ssyncadd.s32 $0xFFFFD800  }
0x12a: {  	[bflag:$0x0] =	sbarrier.arrive $0xFFFF  }
0x12b: {  	s25 =	rddreg [dreg:$0x18]  }
0x12c: {  	[hbm:s25], [sflag:s20] =	dma.local [spmem:s21], $0x2710  }
0x12d: {  	_ =	swait.ge [sflag:s8], $0x2710  }
0x12e: {  	s19 =	sadd.s32 $0x1, s19;
	s26 =	rddreg [dreg:$0x19]  }
0x12f: {  	p0 =	sne.s32 s19, s26  }
.Ltmp4:
0x130: {  	_ = 	snop;
	(pc) =	sbr.rel @p0 .LBB2_1-.Ltmp4, $3  }
0x131: {  	_ =	sdelay $0x1  }
0x132: {  	[sflag:s8] =	ssyncset.done $0x0  }
0x133: {  	[sflag:s8] =	ssyncadd.s32 $0xFFFFD8F0  }
0x134: {  	_ =	sfence.sel $0x180000  }
0x135: {  	[bflag:$0x0] =	sbarrier.arrive $0xFFFF  }
0x136: {  	_ =	strace $0x90000047  }
0x137: {  	s0 =	stileid.u32;
	[bflag:$0x2] =	sbarrier.arrive $0xFFFF  }
0x138: {  	p0 =	sne.s32 s0, $0x0;
	s0 =	rddreg [dreg:$0x5]  }
0x139: {  	s0 =	sadd.s32 @!p0 $0x100000, s0  }
0x13a: {  	[sflag:s0] =	ssyncadd.tile.s32 @!p0 $0x1;
	_ =	shalt  }
.Lfunc_end2:
_tile_overlayer_lowered:
.L_overlay_start_2:
0x13b: {  	(tag) =	ssettag $0x2  }
0x13c: {  	s0 =	rddreg [dreg:$0x0];
	s2 =	stileid.u32  }
0x13d: {  	s1 =	rddreg [dreg:$0x1];
	p0 =	sne.s32 s2, $0x0  }
0x13e: {  	s3 =	rddreg [dreg:$0x2];
	[bflag:$0x3] =	sbarrier.arrive $0xFFFF;
	s2 =	simm.s32 @!p0 $0x1C06  }
0x13f: {  	[timem:s3], [sflag:s2] =	dma.local @!p0 [hbm:s0], s1  }
0x140: {  	s0 =	simm.s32 @!p0 $0x6  }
0x141: {  	_ =	swait.ge @!p0 [sflag:s0], s1  }
0x142: {  	s1 =	ssub.s32 @!p0 $0x0, s1;
	[sflag:s0] =	ssyncset.done @!p0 $0x0  }
0x143: {  	[sflag:s0] =	ssyncadd.s32 @!p0 s1  }
0x144: {  	[bflag:$0x3] =	sbarrier.arrive $0xFFFF  }
0x145: {  	_ =	shalt  }

</sc_bundles>
